<compile_context>
chip_gen: v7x
topology: tpu7x:2x2x1
jax: 0.10.2.dev20260603
libtpu: 0.0.44.dev20260713+nightly
codegen_flags: <defaults>
</compile_context>

<pallas_src>
import functools

import jax
import jax.numpy as jnp
from jax import lax
from jax.experimental import pallas as pl
from jax.experimental.pallas import tpu as pltpu
from jax.experimental.pallas import tpu_sc as plsc

N = 10000
E = 320000
D = 128
G = 64
NC = 2
NS = 16
NW = NC * NS
EPT = E // NW
KP = 80
CH = EPT // KP
RPT = N // NS

_mesh = plsc.VectorSubcoreMesh(core_axis_name="c", subcore_axis_name="s")



DW = D


@functools.partial(
    pl.kernel,
    out_type=jax.ShapeDtypeStruct((NC, NS, RPT, DW), jnp.float32),
    mesh=_mesh,
    scratch_types=[
        pltpu.VMEM((KP, DW), jnp.float32),
        pltpu.VMEM((EPT,), jnp.int32),
        pltpu.VMEM_SHARED((N, DW), jnp.float32),
        pltpu.SemaphoreType.DMA,
        pltpu.SemaphoreType.DMA,
    ],
)
def _deg_kernel(dst_hbm, ones_hbm, zero_hbm, out_hbm,
                ones_v, didx, acc_sh, sem0, sem1):
    cid = lax.axis_index("c")
    sid = lax.axis_index("s")
    wid = cid * NS + sid
    pltpu.sync_copy(ones_hbm, ones_v)
    pltpu.sync_copy(dst_hbm.at[pl.ds(wid * EPT, EPT)], didx)
    pltpu.sync_copy(zero_hbm, acc_sh.at[pl.ds(sid * RPT, RPT)])
    plsc.subcore_barrier()

    def body(i, _):
        j = 2 * i
        s0 = pltpu.async_copy(
            ones_v, acc_sh.at[didx.at[pl.ds(j * KP, KP)]], sem0, add=True)
        s1 = pltpu.async_copy(
            ones_v, acc_sh.at[didx.at[pl.ds((j + 1) * KP, KP)]], sem1,
            add=True)
        s0.wait()
        s1.wait()
        return 0

    lax.fori_loop(0, CH // 2, body, 0)
    pltpu.async_copy(ones_v, acc_sh.at[didx.at[pl.ds((CH - 1) * KP, KP)]],
                     sem0, add=True).wait()
    plsc.subcore_barrier()
    pltpu.sync_copy(acc_sh.at[pl.ds(sid * RPT, RPT)], out_hbm.at[cid, sid])


@functools.partial(
    pl.kernel,
    out_type=jax.ShapeDtypeStruct((NC, NS, RPT, D), jnp.float32),
    mesh=_mesh,
    scratch_types=[
        pltpu.VMEM((KP, D), jnp.float32),
        pltpu.VMEM((KP, D), jnp.float32),
        pltpu.VMEM((EPT,), jnp.int32),
        pltpu.VMEM((EPT,), jnp.int32),
        pltpu.VMEM_SHARED((N, D), jnp.float32),
        pltpu.SemaphoreType.DMA,
        pltpu.SemaphoreType.DMA,
        pltpu.SemaphoreType.DMA,
        pltpu.SemaphoreType.DMA,
    ],
)
def _scatter_kernel(y_hbm, src_hbm, dst_hbm, zero_hbm, out_hbm,
                    rows_a, rows_b, sidx, didx, acc_sh,
                    gsem0, gsem1, ssem0, ssem1):
    cid = lax.axis_index("c")
    sid = lax.axis_index("s")
    wid = cid * NS + sid
    pltpu.sync_copy(src_hbm.at[pl.ds(wid * EPT, EPT)], sidx)
    pltpu.sync_copy(dst_hbm.at[pl.ds(wid * EPT, EPT)], didx)
    pltpu.sync_copy(zero_hbm, acc_sh.at[pl.ds(sid * RPT, RPT)])
    plsc.subcore_barrier()

    def body(i, _):
        j = 2 * i
        g0 = pltpu.async_copy(
            y_hbm.at[sidx.at[pl.ds(j * KP, KP)]], rows_a, gsem0)
        g1 = pltpu.async_copy(
            y_hbm.at[sidx.at[pl.ds((j + 1) * KP, KP)]], rows_b, gsem1)
        g0.wait()
        s0 = pltpu.async_copy(
            rows_a, acc_sh.at[didx.at[pl.ds(j * KP, KP)]], ssem0, add=True)
        g1.wait()
        s1 = pltpu.async_copy(
            rows_b, acc_sh.at[didx.at[pl.ds((j + 1) * KP, KP)]], ssem1,
            add=True)
        s0.wait()
        s1.wait()
        return 0

    lax.fori_loop(0, CH // 2, body, 0)
    j = CH - 1
    pltpu.async_copy(y_hbm.at[sidx.at[pl.ds(j * KP, KP)]], rows_a,
                     gsem0).wait()
    pltpu.async_copy(rows_a, acc_sh.at[didx.at[pl.ds(j * KP, KP)]],
                     ssem0, add=True).wait()
    plsc.subcore_barrier()
    pltpu.sync_copy(acc_sh.at[pl.ds(sid * RPT, RPT)], out_hbm.at[cid, sid])



_R = 1000
_NBLK = N // _R


def _t1_body(hist_ref, x_ref, w_ref, o_ref, dinv_ref):
    deg = hist_ref[0, :, 0:1] + hist_ref[1, :, 0:1] + 1.0
    dinv = lax.rsqrt(deg)
    dinv_ref[...] = dinv
    z = jnp.dot(x_ref[...], w_ref[...], preferred_element_type=jnp.float32)
    o_ref[...] = z * dinv


def _t2_body(p_ref, y_ref, dinv_ref, b_ref, w_ref, o_ref):
    dinv = dinv_ref[...]
    s = p_ref[0] + p_ref[1] + y_ref[...]
    h = jnp.maximum(s * dinv + b_ref[...], 0.0)
    o_ref[...] = jnp.dot(h, w_ref[...],
                         preferred_element_type=jnp.float32) * dinv


def _t3_body(p_ref, y_ref, dinv_ref, b_ref, batch_ref,
             osum_ref, omax_ref, ocnt_ref):
    i = pl.program_id(0)
    s = p_ref[0] + p_ref[1] + y_ref[...]
    h = jnp.maximum(s * dinv_ref[...] + b_ref[...], 0.0)
    bt_col = batch_ref[0]

    @pl.when(i == 0)
    def _():
        osum_ref[...] = jnp.zeros_like(osum_ref)
        omax_ref[...] = jnp.full_like(omax_ref, -jnp.inf)
        ocnt_ref[...] = jnp.zeros_like(ocnt_ref)

    seg = lax.broadcasted_iota(jnp.int32, (_R, G), 1)
    onehot = (seg == bt_col).astype(jnp.float32)
    contract0 = (((0,), (0,)), ((), ()))
    osum_ref[...] += lax.dot_general(
        onehot, h, contract0, preferred_element_type=jnp.float32)
    ocnt_ref[...] += lax.dot_general(
        onehot, jnp.ones((_R, 1), jnp.float32), contract0,
        preferred_element_type=jnp.float32)

    def mbody(g, _):
        m = jnp.max(jnp.where(bt_col == g, h, -jnp.inf),
                    axis=0, keepdims=True)
        omax_ref[pl.ds(g, 1), :] = jnp.maximum(omax_ref[pl.ds(g, 1), :], m)
        return 0

    lax.fori_loop(batch_ref[0, 0, 0], batch_ref[0, _R - 1, 0] + 1, mbody, 0)


def _t4_body(sum_ref, max_ref, cnt_ref, m1a_ref, m1b_ref, mb1_ref,
             m2_ref, mb2_ref, m3_ref, mb3_ref, o_ref):
    mean = sum_ref[...] / jnp.maximum(cnt_ref[...], 1.0)
    g1 = jnp.maximum(
        jnp.dot(mean, m1a_ref[...], preferred_element_type=jnp.float32)
        + jnp.dot(max_ref[...], m1b_ref[...], preferred_element_type=jnp.float32)
        + mb1_ref[...], 0.0)
    g2 = jnp.maximum(
        jnp.dot(g1, m2_ref[...], preferred_element_type=jnp.float32)
        + mb2_ref[...], 0.0)
    g3 = jnp.dot(g2, m3_ref[...], preferred_element_type=jnp.float32) + mb3_ref[...]
    o_ref[...] = jax.nn.sigmoid(g3)


def _hist_spec():
    return pl.BlockSpec((NC, _R, DW), lambda i: (0, i, 0))


def _dinv_spec():
    return pl.BlockSpec((_R, 1), lambda i: (i, 0))


def _rows_spec():
    return pl.BlockSpec((_R, D), lambda i: (i, 0))


def _full_spec(shape):
    nd = len(shape)
    return pl.BlockSpec(shape, lambda *a: (0,) * nd)


def _t1(hist, x, w1):
    return pl.pallas_call(
        _t1_body,
        grid=(_NBLK,),
        in_specs=[_hist_spec(), _rows_spec(), _full_spec((D, D))],
        out_specs=[_rows_spec(), _dinv_spec()],
        out_shape=[jax.ShapeDtypeStruct((N, D), jnp.float32),
                   jax.ShapeDtypeStruct((N, 1), jnp.float32)],
    )(hist, x, w1)


def _t2(p, y, dinv, b, w):
    return pl.pallas_call(
        _t2_body,
        grid=(_NBLK,),
        in_specs=[
            pl.BlockSpec((NC, _R, D), lambda i: (0, i, 0)),
            _rows_spec(), _dinv_spec(), _full_spec((1, D)), _full_spec((D, D)),
        ],
        out_specs=_rows_spec(),
        out_shape=jax.ShapeDtypeStruct((N, D), jnp.float32),
    )(p, y, dinv, b, w)


def _t3(p, y, dinv, b, batch3):
    return pl.pallas_call(
        _t3_body,
        grid=(_NBLK,),
        in_specs=[
            pl.BlockSpec((NC, _R, D), lambda i: (0, i, 0)),
            _rows_spec(), _dinv_spec(), _full_spec((1, D)),
            pl.BlockSpec((1, _R, 1), lambda i: (i, 0, 0)),
        ],
        out_specs=[_full_spec((G, D)), _full_spec((G, D)),
                   _full_spec((G, 1))],
        out_shape=[jax.ShapeDtypeStruct((G, D), jnp.float32),
                   jax.ShapeDtypeStruct((G, D), jnp.float32),
                   jax.ShapeDtypeStruct((G, 1), jnp.float32)],
    )(p, y, dinv, b, batch3)


def _t4(seg_sum, seg_max, seg_cnt, m1a, m1b, mb1, m2, mb2, m3, mb3):
    return pl.pallas_call(
        _t4_body,
        in_specs=[_full_spec((G, D)), _full_spec((G, D)), _full_spec((G, 1)),
                  _full_spec((D, D)), _full_spec((D, D)), _full_spec((1, D)),
                  _full_spec((D, D // 2)), _full_spec((1, D // 2)),
                  _full_spec((D // 2, 1)), _full_spec((1, 1))],
        out_specs=_full_spec((G, 1)),
        out_shape=jax.ShapeDtypeStruct((G, 1), jnp.float32),
    )(seg_sum, seg_max, seg_cnt, m1a, m1b, mb1, m2, mb2, m3, mb3)



def kernel(x, edge_index, edge_attr, batch, W1, b1, W2, b2, W3, b3,
           M1, mb1, M2, mb2, M3, mb3):
    del edge_attr
    src = edge_index[0].astype(jnp.int32)
    dst = edge_index[1].astype(jnp.int32)
    batch3 = batch.astype(jnp.int32).reshape(_NBLK, _R, 1)
    zeros = jnp.zeros((RPT, D), jnp.float32)

    hist = _deg_kernel(dst, jnp.ones((KP, DW), jnp.float32),
                       zeros).reshape(NC, N, DW)

    def _scatter(y):
        return _scatter_kernel(y, src, dst, zeros).reshape(NC, N, D)

    y1, dinv = _t1(hist, x, W1)
    p1 = _scatter(y1)
    y2 = _t2(p1, y1, dinv, b1.reshape(1, D), W2)
    p2 = _scatter(y2)
    y3 = _t2(p2, y2, dinv, b2.reshape(1, D), W3)
    p3 = _scatter(y3)
    seg_sum, seg_max, seg_cnt = _t3(p3, y3, dinv, b3.reshape(1, D), batch3)

    return _t4(seg_sum, seg_max, seg_cnt,
               M1[:D], M1[D:], mb1.reshape(1, D),
               M2, mb2.reshape(1, D // 2), M3, mb3.reshape(1, 1))

# --- scband reference (transcript-rebuilt; emitter-appended) ---
"""Pipeline reference for scband-team-shot-gnn-41558103556528 (READ-ONLY COPY).

The authoritative reference and input builder live on the scoring server;
editing this copy changes nothing except your own understanding.
"""

import jax, jax.numpy as jnp
import numpy as np

NUM_NODES = 10000
NUM_EDGES = 320000
D_FEAT = 128
HIDDEN = 128
NUM_GRAPHS = 64


def gcn_conv(x, edge_index, W, b, num_nodes):
    # PyG GCNConv: add self-loops, symmetric normalization, then propagate
    src = edge_index[0]
    dst = edge_index[1]
    loop = jnp.arange(num_nodes, dtype=src.dtype)
    src = jnp.concatenate([src, loop])
    dst = jnp.concatenate([dst, loop])
    h = x @ W
    ones = jnp.ones(src.shape[0], dtype=h.dtype)
    deg = jax.ops.segment_sum(ones, dst, num_segments=num_nodes)
    deg_inv_sqrt = jnp.where(deg > 0, 1.0 / jnp.sqrt(deg), 0.0)
    norm = deg_inv_sqrt[src] * deg_inv_sqrt[dst]
    msgs = h[src] * norm[:, None]
    out = jax.ops.segment_sum(msgs, dst, num_segments=num_nodes)
    return out + b


def setup_inputs(seed: int = 0) -> dict:
    key = jax.random.key(seed)
    ks = jax.random.split(key, 20)
    x = jax.random.normal(ks[0], (NUM_NODES, D_FEAT), dtype=jnp.float32)
    edge_index = jax.random.randint(ks[1], (2, NUM_EDGES), 0, NUM_NODES, dtype=jnp.int64)
    edge_attr = jax.random.normal(ks[2], (NUM_EDGES, 16), dtype=jnp.float32)
    batch = jnp.sort(jax.random.randint(ks[3], (NUM_NODES,), 0, NUM_GRAPHS, dtype=jnp.int64))
    def glorot(k, shape):
        lim = np.sqrt(6.0 / (shape[0] + shape[1]))
        return jax.random.uniform(k, shape, dtype=jnp.float32, minval=-lim, maxval=lim)
    W1 = glorot(ks[4], (D_FEAT, HIDDEN)); b1 = jnp.zeros((HIDDEN,), jnp.float32)
    W2 = glorot(ks[5], (HIDDEN, HIDDEN)); b2 = jnp.zeros((HIDDEN,), jnp.float32)
    W3 = glorot(ks[6], (HIDDEN, HIDDEN)); b3 = jnp.zeros((HIDDEN,), jnp.float32)
    M1 = glorot(ks[7], (HIDDEN * 2, HIDDEN)); mb1 = jnp.zeros((HIDDEN,), jnp.float32)
    M2 = glorot(ks[8], (HIDDEN, HIDDEN // 2)); mb2 = jnp.zeros((HIDDEN // 2,), jnp.float32)
    M3 = glorot(ks[9], (HIDDEN // 2, 1)); mb3 = jnp.zeros((1,), jnp.float32)
    return {"x": x, "edge_index": edge_index, "edge_attr": edge_attr, "batch": batch,
            "W1": W1, "b1": b1, "W2": W2, "b2": b2, "W3": W3, "b3": b3,
            "M1": M1, "mb1": mb1, "M2": M2, "mb2": mb2, "M3": M3, "mb3": mb3}


def reference(x, edge_index, edge_attr, batch, W1, b1, W2, b2, W3, b3, M1, mb1, M2, mb2, M3, mb3):
    num_nodes = x.shape[0]
    # edge_attr unused by this model's forward (GCNConv ignores it)
    h = jax.nn.relu(gcn_conv(x, edge_index, W1, b1, num_nodes))
    # dropout is identity at inference
    h = jax.nn.relu(gcn_conv(h, edge_index, W2, b2, num_nodes))
    h = jax.nn.relu(gcn_conv(h, edge_index, W3, b3, num_nodes))
    # global mean pool
    seg_sum = jax.ops.segment_sum(h, batch, num_segments=NUM_GRAPHS)
    counts = jax.ops.segment_sum(jnp.ones((num_nodes,), h.dtype), batch, num_segments=NUM_GRAPHS)
    x_mean = seg_sum / jnp.maximum(counts, 1.0)[:, None]
    # global max pool
    x_max = jax.ops.segment_max(h, batch, num_segments=NUM_GRAPHS)
    g = jnp.concatenate([x_mean, x_max], axis=1)
    g = jax.nn.relu(g @ M1 + mb1)
    g = jax.nn.relu(g @ M2 + mb2)
    g = g @ M3 + mb3
    return jax.nn.sigmoid(g)

if __name__ == "__main__":
    import jax
    _d = setup_inputs()
    print(jax.jit(kernel)(*tuple(_d.values())))

</pallas_src>

<mosaic_0001>
#map = affine_map<(d0, d1) -> (0, 0)>
#map1 = affine_map<(d0, d1) -> (0)>
#map2 = affine_map<(d0, d1) -> (0, 0, 0, 0)>
module attributes {stable_mosaic.version = 14 : i64} {
  func.func @_scatter_kernel(%arg0: i32, %arg1: i32, %arg2: memref<10000x128xf32, #tpu.memory_space<hbm>>, %arg3: memref<320000xi32, #tpu.memory_space<hbm>>, %arg4: memref<320000xi32, #tpu.memory_space<hbm>>, %arg5: memref<625x128xf32, #tpu.memory_space<hbm>>, %arg6: memref<2x16x625x128xf32, #tpu.memory_space<hbm>>, %arg7: memref<80x128xf32, #tpu.memory_space<vmem>>, %arg8: memref<80x128xf32, #tpu.memory_space<vmem>>, %arg9: memref<10000xi32, #tpu.memory_space<vmem>>, %arg10: memref<10000xi32, #tpu.memory_space<vmem>>, %arg11: memref<10000x128xf32, #tpu.memory_space<vmem_shared>>, %arg12: memref<!tpu.dma_semaphore, #tpu.memory_space<semaphore_mem>>, %arg13: memref<!tpu.dma_semaphore, #tpu.memory_space<semaphore_mem>>, %arg14: memref<!tpu.dma_semaphore, #tpu.memory_space<semaphore_mem>>, %arg15: memref<!tpu.dma_semaphore, #tpu.memory_space<semaphore_mem>>) attributes {dimension_semantics = [#tpu.dimension_semantics<core_parallel>, #tpu.dimension_semantics<subcore_parallel>], iteration_bounds = array<i64: 2, 16>, scalar_prefetch = 0 : i64, scratch_operands = 9 : i64, tpu.core_type = #tpu.core_type<sc_vector_subcore>, window_params = [{transform_indices = #map}, {transform_indices = #map1}, {transform_indices = #map1}, {transform_indices = #map}, {transform_indices = #map2}]} {
    %mul3A = arith.constant 16 : i32
    %mul3A_0 = arith.muli %arg0, %mul3A : i32
    %add3A = arith.addi %mul3A_0, %arg1 : i32
    %mul3A_1 = arith.constant 10000 : i32
    %mul3A_2 = arith.muli %add3A, %mul3A_1 : i32
    "tpu.region"() ({
      %run_scoped3A = tpu.sem_alloc : memref<!tpu.dma_semaphore, #tpu.memory_space<semaphore_mem>>
      %dma_start3A_34 = tpu.memref_slice %arg3[%mul3A_2] : memref<320000xi32, #tpu.memory_space<hbm>> -> memref<10000xi32, #tpu.memory_space<hbm>>
      %dma_start3A_35 = tpu.memref_slice %arg3[%mul3A_2] : memref<320000xi32, #tpu.memory_space<hbm>> -> memref<10000xi32, #tpu.memory_space<hbm>>
      tpu.enqueue_dma source(%dma_start3A_35 : memref<10000xi32, #tpu.memory_space<hbm>>) target(%arg9 : memref<10000xi32, #tpu.memory_space<vmem>>) target_semaphore(%run_scoped3A : memref<!tpu.dma_semaphore, #tpu.memory_space<semaphore_mem>>)
      %dma_wait3A_36 = tpu.memref_slice %arg3[%mul3A_2] : memref<320000xi32, #tpu.memory_space<hbm>> -> memref<10000xi32, #tpu.memory_space<hbm>>
      %dma_wait3A_37 = tpu.memref_slice %arg3[%mul3A_2] : memref<320000xi32, #tpu.memory_space<hbm>> -> memref<10000xi32, #tpu.memory_space<hbm>>
      tpu.wait_dma2 semaphore(%run_scoped3A : memref<!tpu.dma_semaphore, #tpu.memory_space<semaphore_mem>>) src(%dma_wait3A_37 : memref<10000xi32, #tpu.memory_space<hbm>>) dst(%arg9 : memref<10000xi32, #tpu.memory_space<vmem>>)
      tpu.yield
    }) : () -> ()
    %mul3A_3 = arith.constant 10000 : i32
    %mul3A_4 = arith.muli %add3A, %mul3A_3 : i32
    "tpu.region"() ({
      %run_scoped3A = tpu.sem_alloc : memref<!tpu.dma_semaphore, #tpu.memory_space<semaphore_mem>>
      %dma_start3A_34 = tpu.memref_slice %arg4[%mul3A_4] : memref<320000xi32, #tpu.memory_space<hbm>> -> memref<10000xi32, #tpu.memory_space<hbm>>
      %dma_start3A_35 = tpu.memref_slice %arg4[%mul3A_4] : memref<320000xi32, #tpu.memory_space<hbm>> -> memref<10000xi32, #tpu.memory_space<hbm>>
      tpu.enqueue_dma source(%dma_start3A_35 : memref<10000xi32, #tpu.memory_space<hbm>>) target(%arg10 : memref<10000xi32, #tpu.memory_space<vmem>>) target_semaphore(%run_scoped3A : memref<!tpu.dma_semaphore, #tpu.memory_space<semaphore_mem>>)
      %dma_wait3A_36 = tpu.memref_slice %arg4[%mul3A_4] : memref<320000xi32, #tpu.memory_space<hbm>> -> memref<10000xi32, #tpu.memory_space<hbm>>
      %dma_wait3A_37 = tpu.memref_slice %arg4[%mul3A_4] : memref<320000xi32, #tpu.memory_space<hbm>> -> memref<10000xi32, #tpu.memory_space<hbm>>
      tpu.wait_dma2 semaphore(%run_scoped3A : memref<!tpu.dma_semaphore, #tpu.memory_space<semaphore_mem>>) src(%dma_wait3A_37 : memref<10000xi32, #tpu.memory_space<hbm>>) dst(%arg10 : memref<10000xi32, #tpu.memory_space<vmem>>)
      tpu.yield
    }) : () -> ()
    %mul3A_5 = arith.constant 625 : i32
    %mul3A_6 = arith.muli %arg1, %mul3A_5 : i32
    "tpu.region"() ({
      %run_scoped3A = tpu.sem_alloc : memref<!tpu.dma_semaphore, #tpu.memory_space<semaphore_mem>>
      %dma_start3A_34 = arith.constant 0 : i32
      %dma_start3A_35 = tpu.memref_slice %arg11[%mul3A_6, %dma_start3A_34] : memref<10000x128xf32, #tpu.memory_space<vmem_shared>> -> memref<625x128xf32, #tpu.memory_space<vmem_shared>>
      tpu.enqueue_dma source(%arg5 : memref<625x128xf32, #tpu.memory_space<hbm>>) target(%dma_start3A_35 : memref<625x128xf32, #tpu.memory_space<vmem_shared>>) target_semaphore(%run_scoped3A : memref<!tpu.dma_semaphore, #tpu.memory_space<semaphore_mem>>)
      %dma_wait3A_36 = arith.constant 0 : i32
      %dma_wait3A_37 = tpu.memref_slice %arg11[%mul3A_6, %dma_wait3A_36] : memref<10000x128xf32, #tpu.memory_space<vmem_shared>> -> memref<625x128xf32, #tpu.memory_space<vmem_shared>>
      tpu.wait_dma2 semaphore(%run_scoped3A : memref<!tpu.dma_semaphore, #tpu.memory_space<semaphore_mem>>) src(%arg5 : memref<625x128xf32, #tpu.memory_space<hbm>>) dst(%dma_wait3A_37 : memref<625x128xf32, #tpu.memory_space<vmem_shared>>)
      tpu.yield
    }) : () -> ()
    %barrier3A = arith.constant 0 : index
    tpu.barrier barrier_id(%barrier3A)
    %scan3A = arith.constant 0 : i32
    %scan3A_7 = arith.constant 0 : i32
    %scan3A_8 = arith.constant 62 : i32
    %scan3A_9 = arith.addi %scan3A_7, %scan3A_8 : i32
    %scan3A_10 = arith.constant 1 : i32
    %scan3A_11 = scf.for %scan3A_34 = %scan3A_7 to %scan3A_9 step %scan3A_10 iter_args(%scan3A_35 = %scan3A) -> (i32)  : i32 {
      %mul3A_36 = arith.constant 2 : i32
      %mul3A_37 = arith.muli %mul3A_36, %scan3A_34 : i32
      %mul3A_38 = arith.constant 80 : i32
      %mul3A_39 = arith.muli %mul3A_37, %mul3A_38 : i32
      %dma_start3A_40 = tpu.memref_slice %arg9[%mul3A_39] : memref<10000xi32, #tpu.memory_space<vmem>> -> memref<80xi32, #tpu.memory_space<vmem>>
      %dma_start3A_41 = arith.constant 0 : i32
      %dma_start3A_42 = arith.constant 0 : i32
      %dma_start3A_43 = tpu.memref_slice %arg2[%dma_start3A_41, %dma_start3A_42] : memref<10000x128xf32, #tpu.memory_space<hbm>> -> memref<10000x128xf32, #tpu.memory_space<hbm>>
      tpu.enqueue_indirect_dma source(%dma_start3A_43 : memref<10000x128xf32, #tpu.memory_space<hbm>>) target(%arg7 : memref<80x128xf32, #tpu.memory_space<vmem>>) offsets(%dma_start3A_40 : memref<80xi32, #tpu.memory_space<vmem>>) semaphore(%arg12 : memref<!tpu.dma_semaphore, #tpu.memory_space<semaphore_mem>>)
      %add3A_44 = arith.constant 1 : i32
      %add3A_45 = arith.addi %mul3A_37, %add3A_44 : i32
      %mul3A_46 = arith.constant 80 : i32
      %mul3A_47 = arith.muli %add3A_45, %mul3A_46 : i32
      %dma_start3A_48 = tpu.memref_slice %arg9[%mul3A_47] : memref<10000xi32, #tpu.memory_space<vmem>> -> memref<80xi32, #tpu.memory_space<vmem>>
      %dma_start3A_49 = arith.constant 0 : i32
      %dma_start3A_50 = arith.constant 0 : i32
      %dma_start3A_51 = tpu.memref_slice %arg2[%dma_start3A_49, %dma_start3A_50] : memref<10000x128xf32, #tpu.memory_space<hbm>> -> memref<10000x128xf32, #tpu.memory_space<hbm>>
      tpu.enqueue_indirect_dma source(%dma_start3A_51 : memref<10000x128xf32, #tpu.memory_space<hbm>>) target(%arg8 : memref<80x128xf32, #tpu.memory_space<vmem>>) offsets(%dma_start3A_48 : memref<80xi32, #tpu.memory_space<vmem>>) semaphore(%arg13 : memref<!tpu.dma_semaphore, #tpu.memory_space<semaphore_mem>>)
      %dma_wait3A_52 = tpu.memref_slice %arg9[%mul3A_39] : memref<10000xi32, #tpu.memory_space<vmem>> -> memref<80xi32, #tpu.memory_space<vmem>>
      %dma_wait3A_53 = arith.constant 0 : i32
      %dma_wait3A_54 = arith.constant 0 : i32
      %dma_wait3A_55 = tpu.memref_slice %arg2[%dma_wait3A_53, %dma_wait3A_54] : memref<10000x128xf32, #tpu.memory_space<hbm>> -> memref<10000x128xf32, #tpu.memory_space<hbm>>
      tpu.wait_indirect_dma semaphore(%arg12 : memref<!tpu.dma_semaphore, #tpu.memory_space<semaphore_mem>>) src(%dma_wait3A_55 : memref<10000x128xf32, #tpu.memory_space<hbm>>) dst(%arg7 : memref<80x128xf32, #tpu.memory_space<vmem>>)
      %mul3A_56 = arith.constant 80 : i32
      %mul3A_57 = arith.muli %mul3A_37, %mul3A_56 : i32
      %dma_start3A_58 = tpu.memref_slice %arg10[%mul3A_57] : memref<10000xi32, #tpu.memory_space<vmem>> -> memref<80xi32, #tpu.memory_space<vmem>>
      %dma_start3A_59 = arith.constant 0 : i32
      %dma_start3A_60 = arith.constant 0 : i32
      %dma_start3A_61 = tpu.memref_slice %arg11[%dma_start3A_59, %dma_start3A_60] : memref<10000x128xf32, #tpu.memory_space<vmem_shared>> -> memref<10000x128xf32, #tpu.memory_space<vmem_shared>>
      tpu.enqueue_indirect_dma source(%arg7 : memref<80x128xf32, #tpu.memory_space<vmem>>) target(%dma_start3A_61 : memref<10000x128xf32, #tpu.memory_space<vmem_shared>>) offsets(%dma_start3A_58 : memref<80xi32, #tpu.memory_space<vmem>>) semaphore(%arg14 : memref<!tpu.dma_semaphore, #tpu.memory_space<semaphore_mem>>) {add = true}
      %dma_wait3A_62 = tpu.memref_slice %arg9[%mul3A_47] : memref<10000xi32, #tpu.memory_space<vmem>> -> memref<80xi32, #tpu.memory_space<vmem>>
      %dma_wait3A_63 = arith.constant 0 : i32
      %dma_wait3A_64 = arith.constant 0 : i32
      %dma_wait3A_65 = tpu.memref_slice %arg2[%dma_wait3A_63, %dma_wait3A_64] : memref<10000x128xf32, #tpu.memory_space<hbm>> -> memref<10000x128xf32, #tpu.memory_space<hbm>>
      tpu.wait_indirect_dma semaphore(%arg13 : memref<!tpu.dma_semaphore, #tpu.memory_space<semaphore_mem>>) src(%dma_wait3A_65 : memref<10000x128xf32, #tpu.memory_space<hbm>>) dst(%arg8 : memref<80x128xf32, #tpu.memory_space<vmem>>)
      %add3A_66 = arith.constant 1 : i32
      %add3A_67 = arith.addi %mul3A_37, %add3A_66 : i32
      %mul3A_68 = arith.constant 80 : i32
      %mul3A_69 = arith.muli %add3A_67, %mul3A_68 : i32
      %dma_start3A_70 = tpu.memref_slice %arg10[%mul3A_69] : memref<10000xi32, #tpu.memory_space<vmem>> -> memref<80xi32, #tpu.memory_space<vmem>>
      %dma_start3A_71 = arith.constant 0 : i32
      %dma_start3A_72 = arith.constant 0 : i32
      %dma_start3A_73 = tpu.memref_slice %arg11[%dma_start3A_71, %dma_start3A_72] : memref<10000x128xf32, #tpu.memory_space<vmem_shared>> -> memref<10000x128xf32, #tpu.memory_space<vmem_shared>>
      tpu.enqueue_indirect_dma source(%arg8 : memref<80x128xf32, #tpu.memory_space<vmem>>) target(%dma_start3A_73 : memref<10000x128xf32, #tpu.memory_space<vmem_shared>>) offsets(%dma_start3A_70 : memref<80xi32, #tpu.memory_space<vmem>>) semaphore(%arg15 : memref<!tpu.dma_semaphore, #tpu.memory_space<semaphore_mem>>) {add = true}
      %dma_wait3A_74 = tpu.memref_slice %arg10[%mul3A_57] : memref<10000xi32, #tpu.memory_space<vmem>> -> memref<80xi32, #tpu.memory_space<vmem>>
      %dma_wait3A_75 = arith.constant 0 : i32
      %dma_wait3A_76 = arith.constant 0 : i32
      %dma_wait3A_77 = tpu.memref_slice %arg11[%dma_wait3A_75, %dma_wait3A_76] : memref<10000x128xf32, #tpu.memory_space<vmem_shared>> -> memref<10000x128xf32, #tpu.memory_space<vmem_shared>>
      tpu.wait_indirect_dma semaphore(%arg14 : memref<!tpu.dma_semaphore, #tpu.memory_space<semaphore_mem>>) src(%arg7 : memref<80x128xf32, #tpu.memory_space<vmem>>) dst(%dma_wait3A_77 : memref<10000x128xf32, #tpu.memory_space<vmem_shared>>)
      %dma_wait3A_78 = tpu.memref_slice %arg10[%mul3A_69] : memref<10000xi32, #tpu.memory_space<vmem>> -> memref<80xi32, #tpu.memory_space<vmem>>
      %dma_wait3A_79 = arith.constant 0 : i32
      %dma_wait3A_80 = arith.constant 0 : i32
      %dma_wait3A_81 = tpu.memref_slice %arg11[%dma_wait3A_79, %dma_wait3A_80] : memref<10000x128xf32, #tpu.memory_space<vmem_shared>> -> memref<10000x128xf32, #tpu.memory_space<vmem_shared>>
      tpu.wait_indirect_dma semaphore(%arg15 : memref<!tpu.dma_semaphore, #tpu.memory_space<semaphore_mem>>) src(%arg8 : memref<80x128xf32, #tpu.memory_space<vmem>>) dst(%dma_wait3A_81 : memref<10000x128xf32, #tpu.memory_space<vmem_shared>>)
      %scan3A_82 = arith.constant 0 : i32
      scf.yield %scan3A_82 : i32
    }
    %scan3A_12 = arith.constant 62 : i32
    %dma_start3A = arith.constant 9920 : i32
    %dma_start3A_13 = tpu.memref_slice %arg9[%dma_start3A] : memref<10000xi32, #tpu.memory_space<vmem>> -> memref<80xi32, #tpu.memory_space<vmem>>
    %dma_start3A_14 = arith.constant 0 : i32
    %dma_start3A_15 = arith.constant 0 : i32
    %dma_start3A_16 = tpu.memref_slice %arg2[%dma_start3A_14, %dma_start3A_15] : memref<10000x128xf32, #tpu.memory_space<hbm>> -> memref<10000x128xf32, #tpu.memory_space<hbm>>
    tpu.enqueue_indirect_dma source(%dma_start3A_16 : memref<10000x128xf32, #tpu.memory_space<hbm>>) target(%arg7 : memref<80x128xf32, #tpu.memory_space<vmem>>) offsets(%dma_start3A_13 : memref<80xi32, #tpu.memory_space<vmem>>) semaphore(%arg12 : memref<!tpu.dma_semaphore, #tpu.memory_space<semaphore_mem>>)
    %dma_wait3A = arith.constant 9920 : i32
    %dma_wait3A_17 = tpu.memref_slice %arg9[%dma_wait3A] : memref<10000xi32, #tpu.memory_space<vmem>> -> memref<80xi32, #tpu.memory_space<vmem>>
    %dma_wait3A_18 = arith.constant 0 : i32
    %dma_wait3A_19 = arith.constant 0 : i32
    %dma_wait3A_20 = tpu.memref_slice %arg2[%dma_wait3A_18, %dma_wait3A_19] : memref<10000x128xf32, #tpu.memory_space<hbm>> -> memref<10000x128xf32, #tpu.memory_space<hbm>>
    tpu.wait_indirect_dma semaphore(%arg12 : memref<!tpu.dma_semaphore, #tpu.memory_space<semaphore_mem>>) src(%dma_wait3A_20 : memref<10000x128xf32, #tpu.memory_space<hbm>>) dst(%arg7 : memref<80x128xf32, #tpu.memory_space<vmem>>)
    %dma_start3A_21 = arith.constant 9920 : i32
    %dma_start3A_22 = tpu.memref_slice %arg10[%dma_start3A_21] : memref<10000xi32, #tpu.memory_space<vmem>> -> memref<80xi32, #tpu.memory_space<vmem>>
    %dma_start3A_23 = arith.constant 0 : i32
    %dma_start3A_24 = arith.constant 0 : i32
    %dma_start3A_25 = tpu.memref_slice %arg11[%dma_start3A_23, %dma_start3A_24] : memref<10000x128xf32, #tpu.memory_space<vmem_shared>> -> memref<10000x128xf32, #tpu.memory_space<vmem_shared>>
    tpu.enqueue_indirect_dma source(%arg7 : memref<80x128xf32, #tpu.memory_space<vmem>>) target(%dma_start3A_25 : memref<10000x128xf32, #tpu.memory_space<vmem_shared>>) offsets(%dma_start3A_22 : memref<80xi32, #tpu.memory_space<vmem>>) semaphore(%arg14 : memref<!tpu.dma_semaphore, #tpu.memory_space<semaphore_mem>>) {add = true}
    %dma_wait3A_26 = arith.constant 9920 : i32
    %dma_wait3A_27 = tpu.memref_slice %arg10[%dma_wait3A_26] : memref<10000xi32, #tpu.memory_space<vmem>> -> memref<80xi32, #tpu.memory_space<vmem>>
    %dma_wait3A_28 = arith.constant 0 : i32
    %dma_wait3A_29 = arith.constant 0 : i32
    %dma_wait3A_30 = tpu.memref_slice %arg11[%dma_wait3A_28, %dma_wait3A_29] : memref<10000x128xf32, #tpu.memory_space<vmem_shared>> -> memref<10000x128xf32, #tpu.memory_space<vmem_shared>>
    tpu.wait_indirect_dma semaphore(%arg14 : memref<!tpu.dma_semaphore, #tpu.memory_space<semaphore_mem>>) src(%arg7 : memref<80x128xf32, #tpu.memory_space<vmem>>) dst(%dma_wait3A_30 : memref<10000x128xf32, #tpu.memory_space<vmem_shared>>)
    %barrier3A_31 = arith.constant 0 : index
    tpu.barrier barrier_id(%barrier3A_31)
    %mul3A_32 = arith.constant 625 : i32
    %mul3A_33 = arith.muli %arg1, %mul3A_32 : i32
    "tpu.region"() ({
      %run_scoped3A = tpu.sem_alloc : memref<!tpu.dma_semaphore, #tpu.memory_space<semaphore_mem>>
      %dma_start3A_34 = arith.constant 0 : i32
      %dma_start3A_35 = arith.constant 0 : i32
      %dma_start3A_36 = tpu.memref_slice %arg6[%arg0, %arg1, %dma_start3A_34, %dma_start3A_35] : memref<2x16x625x128xf32, #tpu.memory_space<hbm>> -> memref<1x1x625x128xf32, #tpu.memory_space<hbm>>
      %dma_start3A_37 = tpu.memref_squeeze %dma_start3A_36 : memref<1x1x625x128xf32, #tpu.memory_space<hbm>> -> memref<625x128xf32, #tpu.memory_space<hbm>>
      %dma_start3A_38 = arith.constant 0 : i32
      %dma_start3A_39 = tpu.memref_slice %arg11[%mul3A_33, %dma_start3A_38] : memref<10000x128xf32, #tpu.memory_space<vmem_shared>> -> memref<625x128xf32, #tpu.memory_space<vmem_shared>>
      tpu.enqueue_dma source(%dma_start3A_39 : memref<625x128xf32, #tpu.memory_space<vmem_shared>>) target(%dma_start3A_37 : memref<625x128xf32, #tpu.memory_space<hbm>>) target_semaphore(%run_scoped3A : memref<!tpu.dma_semaphore, #tpu.memory_space<semaphore_mem>>)
      %dma_wait3A_40 = arith.constant 0 : i32
      %dma_wait3A_41 = arith.constant 0 : i32
      %dma_wait3A_42 = tpu.memref_slice %arg6[%arg0, %arg1, %dma_wait3A_40, %dma_wait3A_41] : memref<2x16x625x128xf32, #tpu.memory_space<hbm>> -> memref<1x1x625x128xf32, #tpu.memory_space<hbm>>
      %dma_wait3A_43 = tpu.memref_squeeze %dma_wait3A_42 : memref<1x1x625x128xf32, #tpu.memory_space<hbm>> -> memref<625x128xf32, #tpu.memory_space<hbm>>
      %dma_wait3A_44 = arith.constant 0 : i32
      %dma_wait3A_45 = tpu.memref_slice %arg11[%mul3A_33, %dma_wait3A_44] : memref<10000x128xf32, #tpu.memory_space<vmem_shared>> -> memref<625x128xf32, #tpu.memory_space<vmem_shared>>
      tpu.wait_dma2 semaphore(%run_scoped3A : memref<!tpu.dma_semaphore, #tpu.memory_space<semaphore_mem>>) src(%dma_wait3A_45 : memref<625x128xf32, #tpu.memory_space<vmem_shared>>) dst(%dma_wait3A_43 : memref<625x128xf32, #tpu.memory_space<hbm>>)
      tpu.yield
    }) : () -> ()
    return
  }
}

#map = affine_map<(d0, d1) -> (0, 0)>
#map1 = affine_map<(d0, d1) -> (0)>
#map2 = affine_map<(d0, d1) -> (0, 0, 0, 0)>
module attributes {stable_mosaic.version = 14 : i64} {
  func.func @_scatter_kernel(%arg0: i32, %arg1: i32, %arg2: memref<10000x128xf32, #tpu.memory_space<hbm>>, %arg3: memref<320000xi32, #tpu.memory_space<hbm>>, %arg4: memref<320000xi32, #tpu.memory_space<hbm>>, %arg5: memref<625x128xf32, #tpu.memory_space<hbm>>, %arg6: memref<2x16x625x128xf32, #tpu.memory_space<hbm>>, %arg7: memref<80x128xf32, #tpu.memory_space<vmem>>, %arg8: memref<80x128xf32, #tpu.memory_space<vmem>>, %arg9: memref<10000xi32, #tpu.memory_space<vmem>>, %arg10: memref<10000xi32, #tpu.memory_space<vmem>>, %arg11: memref<10000x128xf32, #tpu.memory_space<vmem_shared>>, %arg12: memref<!tpu.dma_semaphore, #tpu.memory_space<semaphore_mem>>, %arg13: memref<!tpu.dma_semaphore, #tpu.memory_space<semaphore_mem>>, %arg14: memref<!tpu.dma_semaphore, #tpu.memory_space<semaphore_mem>>, %arg15: memref<!tpu.dma_semaphore, #tpu.memory_space<semaphore_mem>>) attributes {dimension_semantics = [#tpu.dimension_semantics<core_parallel>, #tpu.dimension_semantics<subcore_parallel>], iteration_bounds = array<i64: 2, 16>, scalar_prefetch = 0 : i64, scratch_operands = 9 : i64, tpu.core_type = #tpu.core_type<sc_vector_subcore>, window_params = [{transform_indices = #map}, {transform_indices = #map1}, {transform_indices = #map1}, {transform_indices = #map}, {transform_indices = #map2}]} {
    %mul3A = arith.constant 16 : i32
    %mul3A_0 = arith.muli %arg0, %mul3A : i32
    %add3A = arith.addi %mul3A_0, %arg1 : i32
    %mul3A_1 = arith.constant 10000 : i32
    %mul3A_2 = arith.muli %add3A, %mul3A_1 : i32
    "tpu.region"() ({
      %run_scoped3A = tpu.sem_alloc : memref<!tpu.dma_semaphore, #tpu.memory_space<semaphore_mem>>
      %dma_start3A_34 = tpu.memref_slice %arg3[%mul3A_2] : memref<320000xi32, #tpu.memory_space<hbm>> -> memref<10000xi32, #tpu.memory_space<hbm>>
      %dma_start3A_35 = tpu.memref_slice %arg3[%mul3A_2] : memref<320000xi32, #tpu.memory_space<hbm>> -> memref<10000xi32, #tpu.memory_space<hbm>>
      tpu.enqueue_dma source(%dma_start3A_35 : memref<10000xi32, #tpu.memory_space<hbm>>) target(%arg9 : memref<10000xi32, #tpu.memory_space<vmem>>) target_semaphore(%run_scoped3A : memref<!tpu.dma_semaphore, #tpu.memory_space<semaphore_mem>>)
      %dma_wait3A_36 = tpu.memref_slice %arg3[%mul3A_2] : memref<320000xi32, #tpu.memory_space<hbm>> -> memref<10000xi32, #tpu.memory_space<hbm>>
      %dma_wait3A_37 = tpu.memref_slice %arg3[%mul3A_2] : memref<320000xi32, #tpu.memory_space<hbm>> -> memref<10000xi32, #tpu.memory_space<hbm>>
      tpu.wait_dma2 semaphore(%run_scoped3A : memref<!tpu.dma_semaphore, #tpu.memory_space<semaphore_mem>>) src(%dma_wait3A_37 : memref<10000xi32, #tpu.memory_space<hbm>>) dst(%arg9 : memref<10000xi32, #tpu.memory_space<vmem>>)
      tpu.yield
    }) : () -> ()
    %mul3A_3 = arith.constant 10000 : i32
    %mul3A_4 = arith.muli %add3A, %mul3A_3 : i32
    "tpu.region"() ({
      %run_scoped3A = tpu.sem_alloc : memref<!tpu.dma_semaphore, #tpu.memory_space<semaphore_mem>>
      %dma_start3A_34 = tpu.memref_slice %arg4[%mul3A_4] : memref<320000xi32, #tpu.memory_space<hbm>> -> memref<10000xi32, #tpu.memory_space<hbm>>
      %dma_start3A_35 = tpu.memref_slice %arg4[%mul3A_4] : memref<320000xi32, #tpu.memory_space<hbm>> -> memref<10000xi32, #tpu.memory_space<hbm>>
      tpu.enqueue_dma source(%dma_start3A_35 : memref<10000xi32, #tpu.memory_space<hbm>>) target(%arg10 : memref<10000xi32, #tpu.memory_space<vmem>>) target_semaphore(%run_scoped3A : memref<!tpu.dma_semaphore, #tpu.memory_space<semaphore_mem>>)
      %dma_wait3A_36 = tpu.memref_slice %arg4[%mul3A_4] : memref<320000xi32, #tpu.memory_space<hbm>> -> memref<10000xi32, #tpu.memory_space<hbm>>
      %dma_wait3A_37 = tpu.memref_slice %arg4[%mul3A_4] : memref<320000xi32, #tpu.memory_space<hbm>> -> memref<10000xi32, #tpu.memory_space<hbm>>
      tpu.wait_dma2 semaphore(%run_scoped3A : memref<!tpu.dma_semaphore, #tpu.memory_space<semaphore_mem>>) src(%dma_wait3A_37 : memref<10000xi32, #tpu.memory_space<hbm>>) dst(%arg10 : memref<10000xi32, #tpu.memory_space<vmem>>)
      tpu.yield
    }) : () -> ()
    %mul3A_5 = arith.constant 625 : i32
    %mul3A_6 = arith.muli %arg1, %mul3A_5 : i32
    "tpu.region"() ({
      %run_scoped3A = tpu.sem_alloc : memref<!tpu.dma_semaphore, #tpu.memory_space<semaphore_mem>>
      %dma_start3A_34 = arith.constant 0 : i32
      %dma_start3A_35 = tpu.memref_slice %arg11[%mul3A_6, %dma_start3A_34] : memref<10000x128xf32, #tpu.memory_space<vmem_shared>> -> memref<625x128xf32, #tpu.memory_space<vmem_shared>>
      tpu.enqueue_dma source(%arg5 : memref<625x128xf32, #tpu.memory_space<hbm>>) target(%dma_start3A_35 : memref<625x128xf32, #tpu.memory_space<vmem_shared>>) target_semaphore(%run_scoped3A : memref<!tpu.dma_semaphore, #tpu.memory_space<semaphore_mem>>)
      %dma_wait3A_36 = arith.constant 0 : i32
      %dma_wait3A_37 = tpu.memref_slice %arg11[%mul3A_6, %dma_wait3A_36] : memref<10000x128xf32, #tpu.memory_space<vmem_shared>> -> memref<625x128xf32, #tpu.memory_space<vmem_shared>>
      tpu.wait_dma2 semaphore(%run_scoped3A : memref<!tpu.dma_semaphore, #tpu.memory_space<semaphore_mem>>) src(%arg5 : memref<625x128xf32, #tpu.memory_space<hbm>>) dst(%dma_wait3A_37 : memref<625x128xf32, #tpu.memory_space<vmem_shared>>)
      tpu.yield
    }) : () -> ()
    %barrier3A = arith.constant 0 : index
    tpu.barrier barrier_id(%barrier3A)
    %scan3A = arith.constant 0 : i32
    %scan3A_7 = arith.constant 0 : i32
    %scan3A_8 = arith.constant 62 : i32
    %scan3A_9 = arith.addi %scan3A_7, %scan3A_8 : i32
    %scan3A_10 = arith.constant 1 : i32
    %scan3A_11 = scf.for %scan3A_34 = %scan3A_7 to %scan3A_9 step %scan3A_10 iter_args(%scan3A_35 = %scan3A) -> (i32)  : i32 {
      %mul3A_36 = arith.constant 2 : i32
      %mul3A_37 = arith.muli %mul3A_36, %scan3A_34 : i32
      %mul3A_38 = arith.constant 80 : i32
      %mul3A_39 = arith.muli %mul3A_37, %mul3A_38 : i32
      %dma_start3A_40 = tpu.memref_slice %arg9[%mul3A_39] : memref<10000xi32, #tpu.memory_space<vmem>> -> memref<80xi32, #tpu.memory_space<vmem>>
      %dma_start3A_41 = arith.constant 0 : i32
      %dma_start3A_42 = arith.constant 0 : i32
      %dma_start3A_43 = tpu.memref_slice %arg2[%dma_start3A_41, %dma_start3A_42] : memref<10000x128xf32, #tpu.memory_space<hbm>> -> memref<10000x128xf32, #tpu.memory_space<hbm>>
      tpu.enqueue_indirect_dma source(%dma_start3A_43 : memref<10000x128xf32, #tpu.memory_space<hbm>>) target(%arg7 : memref<80x128xf32, #tpu.memory_space<vmem>>) offsets(%dma_start3A_40 : memref<80xi32, #tpu.memory_space<vmem>>) semaphore(%arg12 : memref<!tpu.dma_semaphore, #tpu.memory_space<semaphore_mem>>)
      %add3A_44 = arith.constant 1 : i32
      %add3A_45 = arith.addi %mul3A_37, %add3A_44 : i32
      %mul3A_46 = arith.constant 80 : i32
      %mul3A_47 = arith.muli %add3A_45, %mul3A_46 : i32
      %dma_start3A_48 = tpu.memref_slice %arg9[%mul3A_47] : memref<10000xi32, #tpu.memory_space<vmem>> -> memref<80xi32, #tpu.memory_space<vmem>>
      %dma_start3A_49 = arith.constant 0 : i32
      %dma_start3A_50 = arith.constant 0 : i32
      %dma_start3A_51 = tpu.memref_slice %arg2[%dma_start3A_49, %dma_start3A_50] : memref<10000x128xf32, #tpu.memory_space<hbm>> -> memref<10000x128xf32, #tpu.memory_space<hbm>>
      tpu.enqueue_indirect_dma source(%dma_start3A_51 : memref<10000x128xf32, #tpu.memory_space<hbm>>) target(%arg8 : memref<80x128xf32, #tpu.memory_space<vmem>>) offsets(%dma_start3A_48 : memref<80xi32, #tpu.memory_space<vmem>>) semaphore(%arg13 : memref<!tpu.dma_semaphore, #tpu.memory_space<semaphore_mem>>)
      %dma_wait3A_52 = tpu.memref_slice %arg9[%mul3A_39] : memref<10000xi32, #tpu.memory_space<vmem>> -> memref<80xi32, #tpu.memory_space<vmem>>
      %dma_wait3A_53 = arith.constant 0 : i32
      %dma_wait3A_54 = arith.constant 0 : i32
      %dma_wait3A_55 = tpu.memref_slice %arg2[%dma_wait3A_53, %dma_wait3A_54] : memref<10000x128xf32, #tpu.memory_space<hbm>> -> memref<10000x128xf32, #tpu.memory_space<hbm>>
      tpu.wait_indirect_dma semaphore(%arg12 : memref<!tpu.dma_semaphore, #tpu.memory_space<semaphore_mem>>) src(%dma_wait3A_55 : memref<10000x128xf32, #tpu.memory_space<hbm>>) dst(%arg7 : memref<80x128xf32, #tpu.memory_space<vmem>>)
      %mul3A_56 = arith.constant 80 : i32
      %mul3A_57 = arith.muli %mul3A_37, %mul3A_56 : i32
      %dma_start3A_58 = tpu.memref_slice %arg10[%mul3A_57] : memref<10000xi32, #tpu.memory_space<vmem>> -> memref<80xi32, #tpu.memory_space<vmem>>
      %dma_start3A_59 = arith.constant 0 : i32
      %dma_start3A_60 = arith.constant 0 : i32
      %dma_start3A_61 = tpu.memref_slice %arg11[%dma_start3A_59, %dma_start3A_60] : memref<10000x128xf32, #tpu.memory_space<vmem_shared>> -> memref<10000x128xf32, #tpu.memory_space<vmem_shared>>
      tpu.enqueue_indirect_dma source(%arg7 : memref<80x128xf32, #tpu.memory_space<vmem>>) target(%dma_start3A_61 : memref<10000x128xf32, #tpu.memory_space<vmem_shared>>) offsets(%dma_start3A_58 : memref<80xi32, #tpu.memory_space<vmem>>) semaphore(%arg14 : memref<!tpu.dma_semaphore, #tpu.memory_space<semaphore_mem>>) {add = true}
      %dma_wait3A_62 = tpu.memref_slice %arg9[%mul3A_47] : memref<10000xi32, #tpu.memory_space<vmem>> -> memref<80xi32, #tpu.memory_space<vmem>>
      %dma_wait3A_63 = arith.constant 0 : i32
      %dma_wait3A_64 = arith.constant 0 : i32
      %dma_wait3A_65 = tpu.memref_slice %arg2[%dma_wait3A_63, %dma_wait3A_64] : memref<10000x128xf32, #tpu.memory_space<hbm>> -> memref<10000x128xf32, #tpu.memory_space<hbm>>
      tpu.wait_indirect_dma semaphore(%arg13 : memref<!tpu.dma_semaphore, #tpu.memory_space<semaphore_mem>>) src(%dma_wait3A_65 : memref<10000x128xf32, #tpu.memory_space<hbm>>) dst(%arg8 : memref<80x128xf32, #tpu.memory_space<vmem>>)
      %add3A_66 = arith.constant 1 : i32
      %add3A_67 = arith.addi %mul3A_37, %add3A_66 : i32
      %mul3A_68 = arith.constant 80 : i32
      %mul3A_69 = arith.muli %add3A_67, %mul3A_68 : i32
      %dma_start3A_70 = tpu.memref_slice %arg10[%mul3A_69] : memref<10000xi32, #tpu.memory_space<vmem>> -> memref<80xi32, #tpu.memory_space<vmem>>
      %dma_start3A_71 = arith.constant 0 : i32
      %dma_start3A_72 = arith.constant 0 : i32
      %dma_start3A_73 = tpu.memref_slice %arg11[%dma_start3A_71, %dma_start3A_72] : memref<10000x128xf32, #tpu.memory_space<vmem_shared>> -> memref<10000x128xf32, #tpu.memory_space<vmem_shared>>
      tpu.enqueue_indirect_dma source(%arg8 : memref<80x128xf32, #tpu.memory_space<vmem>>) target(%dma_start3A_73 : memref<10000x128xf32, #tpu.memory_space<vmem_shared>>) offsets(%dma_start3A_70 : memref<80xi32, #tpu.memory_space<vmem>>) semaphore(%arg15 : memref<!tpu.dma_semaphore, #tpu.memory_space<semaphore_mem>>) {add = true}
      %dma_wait3A_74 = tpu.memref_slice %arg10[%mul3A_57] : memref<10000xi32, #tpu.memory_space<vmem>> -> memref<80xi32, #tpu.memory_space<vmem>>
      %dma_wait3A_75 = arith.constant 0 : i32
      %dma_wait3A_76 = arith.constant 0 : i32
      %dma_wait3A_77 = tpu.memref_slice %arg11[%dma_wait3A_75, %dma_wait3A_76] : memref<10000x128xf32, #tpu.memory_space<vmem_shared>> -> memref<10000x128xf32, #tpu.memory_space<vmem_shared>>
      tpu.wait_indirect_dma semaphore(%arg14 : memref<!tpu.dma_semaphore, #tpu.memory_space<semaphore_mem>>) src(%arg7 : memref<80x128xf32, #tpu.memory_space<vmem>>) dst(%dma_wait3A_77 : memref<10000x128xf32, #tpu.memory_space<vmem_shared>>)
      %dma_wait3A_78 = tpu.memref_slice %arg10[%mul3A_69] : memref<10000xi32, #tpu.memory_space<vmem>> -> memref<80xi32, #tpu.memory_space<vmem>>
      %dma_wait3A_79 = arith.constant 0 : i32
      %dma_wait3A_80 = arith.constant 0 : i32
      %dma_wait3A_81 = tpu.memref_slice %arg11[%dma_wait3A_79, %dma_wait3A_80] : memref<10000x128xf32, #tpu.memory_space<vmem_shared>> -> memref<10000x128xf32, #tpu.memory_space<vmem_shared>>
      tpu.wait_indirect_dma semaphore(%arg15 : memref<!tpu.dma_semaphore, #tpu.memory_space<semaphore_mem>>) src(%arg8 : memref<80x128xf32, #tpu.memory_space<vmem>>) dst(%dma_wait3A_81 : memref<10000x128xf32, #tpu.memory_space<vmem_shared>>)
      %scan3A_82 = arith.constant 0 : i32
      scf.yield %scan3A_82 : i32
    }
    %scan3A_12 = arith.constant 62 : i32
    %dma_start3A = arith.constant 9920 : i32
    %dma_start3A_13 = tpu.memref_slice %arg9[%dma_start3A] : memref<10000xi32, #tpu.memory_space<vmem>> -> memref<80xi32, #tpu.memory_space<vmem>>
    %dma_start3A_14 = arith.constant 0 : i32
    %dma_start3A_15 = arith.constant 0 : i32
    %dma_start3A_16 = tpu.memref_slice %arg2[%dma_start3A_14, %dma_start3A_15] : memref<10000x128xf32, #tpu.memory_space<hbm>> -> memref<10000x128xf32, #tpu.memory_space<hbm>>
    tpu.enqueue_indirect_dma source(%dma_start3A_16 : memref<10000x128xf32, #tpu.memory_space<hbm>>) target(%arg7 : memref<80x128xf32, #tpu.memory_space<vmem>>) offsets(%dma_start3A_13 : memref<80xi32, #tpu.memory_space<vmem>>) semaphore(%arg12 : memref<!tpu.dma_semaphore, #tpu.memory_space<semaphore_mem>>)
    %dma_wait3A = arith.constant 9920 : i32
    %dma_wait3A_17 = tpu.memref_slice %arg9[%dma_wait3A] : memref<10000xi32, #tpu.memory_space<vmem>> -> memref<80xi32, #tpu.memory_space<vmem>>
    %dma_wait3A_18 = arith.constant 0 : i32
    %dma_wait3A_19 = arith.constant 0 : i32
    %dma_wait3A_20 = tpu.memref_slice %arg2[%dma_wait3A_18, %dma_wait3A_19] : memref<10000x128xf32, #tpu.memory_space<hbm>> -> memref<10000x128xf32, #tpu.memory_space<hbm>>
    tpu.wait_indirect_dma semaphore(%arg12 : memref<!tpu.dma_semaphore, #tpu.memory_space<semaphore_mem>>) src(%dma_wait3A_20 : memref<10000x128xf32, #tpu.memory_space<hbm>>) dst(%arg7 : memref<80x128xf32, #tpu.memory_space<vmem>>)
    %dma_start3A_21 = arith.constant 9920 : i32
    %dma_start3A_22 = tpu.memref_slice %arg10[%dma_start3A_21] : memref<10000xi32, #tpu.memory_space<vmem>> -> memref<80xi32, #tpu.memory_space<vmem>>
    %dma_start3A_23 = arith.constant 0 : i32
    %dma_start3A_24 = arith.constant 0 : i32
    %dma_start3A_25 = tpu.memref_slice %arg11[%dma_start3A_23, %dma_start3A_24] : memref<10000x128xf32, #tpu.memory_space<vmem_shared>> -> memref<10000x128xf32, #tpu.memory_space<vmem_shared>>
    tpu.enqueue_indirect_dma source(%arg7 : memref<80x128xf32, #tpu.memory_space<vmem>>) target(%dma_start3A_25 : memref<10000x128xf32, #tpu.memory_space<vmem_shared>>) offsets(%dma_start3A_22 : memref<80xi32, #tpu.memory_space<vmem>>) semaphore(%arg14 : memref<!tpu.dma_semaphore, #tpu.memory_space<semaphore_mem>>) {add = true}
    %dma_wait3A_26 = arith.constant 9920 : i32
    %dma_wait3A_27 = tpu.memref_slice %arg10[%dma_wait3A_26] : memref<10000xi32, #tpu.memory_space<vmem>> -> memref<80xi32, #tpu.memory_space<vmem>>
    %dma_wait3A_28 = arith.constant 0 : i32
    %dma_wait3A_29 = arith.constant 0 : i32
    %dma_wait3A_30 = tpu.memref_slice %arg11[%dma_wait3A_28, %dma_wait3A_29] : memref<10000x128xf32, #tpu.memory_space<vmem_shared>> -> memref<10000x128xf32, #tpu.memory_space<vmem_shared>>
    tpu.wait_indirect_dma semaphore(%arg14 : memref<!tpu.dma_semaphore, #tpu.memory_space<semaphore_mem>>) src(%arg7 : memref<80x128xf32, #tpu.memory_space<vmem>>) dst(%dma_wait3A_30 : memref<10000x128xf32, #tpu.memory_space<vmem_shared>>)
    %barrier3A_31 = arith.constant 0 : index
    tpu.barrier barrier_id(%barrier3A_31)
    %mul3A_32 = arith.constant 625 : i32
    %mul3A_33 = arith.muli %arg1, %mul3A_32 : i32
    "tpu.region"() ({
      %run_scoped3A = tpu.sem_alloc : memref<!tpu.dma_semaphore, #tpu.memory_space<semaphore_mem>>
      %dma_start3A_34 = arith.constant 0 : i32
      %dma_start3A_35 = arith.constant 0 : i32
      %dma_start3A_36 = tpu.memref_slice %arg6[%arg0, %arg1, %dma_start3A_34, %dma_start3A_35] : memref<2x16x625x128xf32, #tpu.memory_space<hbm>> -> memref<1x1x625x128xf32, #tpu.memory_space<hbm>>
      %dma_start3A_37 = tpu.memref_squeeze %dma_start3A_36 : memref<1x1x625x128xf32, #tpu.memory_space<hbm>> -> memref<625x128xf32, #tpu.memory_space<hbm>>
      %dma_start3A_38 = arith.constant 0 : i32
      %dma_start3A_39 = tpu.memref_slice %arg11[%mul3A_33, %dma_start3A_38] : memref<10000x128xf32, #tpu.memory_space<vmem_shared>> -> memref<625x128xf32, #tpu.memory_space<vmem_shared>>
      tpu.enqueue_dma source(%dma_start3A_39 : memref<625x128xf32, #tpu.memory_space<vmem_shared>>) target(%dma_start3A_37 : memref<625x128xf32, #tpu.memory_space<hbm>>) target_semaphore(%run_scoped3A : memref<!tpu.dma_semaphore, #tpu.memory_space<semaphore_mem>>)
      %dma_wait3A_40 = arith.constant 0 : i32
      %dma_wait3A_41 = arith.constant 0 : i32
      %dma_wait3A_42 = tpu.memref_slice %arg6[%arg0, %arg1, %dma_wait3A_40, %dma_wait3A_41] : memref<2x16x625x128xf32, #tpu.memory_space<hbm>> -> memref<1x1x625x128xf32, #tpu.memory_space<hbm>>
      %dma_wait3A_43 = tpu.memref_squeeze %dma_wait3A_42 : memref<1x1x625x128xf32, #tpu.memory_space<hbm>> -> memref<625x128xf32, #tpu.memory_space<hbm>>
      %dma_wait3A_44 = arith.constant 0 : i32
      %dma_wait3A_45 = tpu.memref_slice %arg11[%mul3A_33, %dma_wait3A_44] : memref<10000x128xf32, #tpu.memory_space<vmem_shared>> -> memref<625x128xf32, #tpu.memory_space<vmem_shared>>
      tpu.wait_dma2 semaphore(%run_scoped3A : memref<!tpu.dma_semaphore, #tpu.memory_space<semaphore_mem>>) src(%dma_wait3A_45 : memref<625x128xf32, #tpu.memory_space<vmem_shared>>) dst(%dma_wait3A_43 : memref<625x128xf32, #tpu.memory_space<hbm>>)
      tpu.yield
    }) : () -> ()
    return
  }
}

#map = affine_map<(d0, d1) -> (0)>
#map1 = affine_map<(d0, d1) -> (0, 0)>
#map2 = affine_map<(d0, d1) -> (0, 0, 0, 0)>
module attributes {stable_mosaic.version = 14 : i64} {
  func.func @_deg_kernel(%arg0: i32, %arg1: i32, %arg2: memref<320000xi32, #tpu.memory_space<hbm>>, %arg3: memref<80x128xf32, #tpu.memory_space<hbm>>, %arg4: memref<625x128xf32, #tpu.memory_space<hbm>>, %arg5: memref<2x16x625x128xf32, #tpu.memory_space<hbm>>, %arg6: memref<80x128xf32, #tpu.memory_space<vmem>>, %arg7: memref<10000xi32, #tpu.memory_space<vmem>>, %arg8: memref<10000x128xf32, #tpu.memory_space<vmem_shared>>, %arg9: memref<!tpu.dma_semaphore, #tpu.memory_space<semaphore_mem>>, %arg10: memref<!tpu.dma_semaphore, #tpu.memory_space<semaphore_mem>>) attributes {dimension_semantics = [#tpu.dimension_semantics<core_parallel>, #tpu.dimension_semantics<subcore_parallel>], iteration_bounds = array<i64: 2, 16>, scalar_prefetch = 0 : i64, scratch_operands = 5 : i64, tpu.core_type = #tpu.core_type<sc_vector_subcore>, window_params = [{transform_indices = #map}, {transform_indices = #map1}, {transform_indices = #map1}, {transform_indices = #map2}]} {
    %mul3A = arith.constant 16 : i32
    %mul3A_0 = arith.muli %arg0, %mul3A : i32
    %add3A = arith.addi %mul3A_0, %arg1 : i32
    "tpu.region"() ({
      %run_scoped3A = tpu.sem_alloc : memref<!tpu.dma_semaphore, #tpu.memory_space<semaphore_mem>>
      tpu.enqueue_dma source(%arg3 : memref<80x128xf32, #tpu.memory_space<hbm>>) target(%arg6 : memref<80x128xf32, #tpu.memory_space<vmem>>) target_semaphore(%run_scoped3A : memref<!tpu.dma_semaphore, #tpu.memory_space<semaphore_mem>>)
      tpu.wait_dma2 semaphore(%run_scoped3A : memref<!tpu.dma_semaphore, #tpu.memory_space<semaphore_mem>>) src(%arg3 : memref<80x128xf32, #tpu.memory_space<hbm>>) dst(%arg6 : memref<80x128xf32, #tpu.memory_space<vmem>>)
      tpu.yield
    }) : () -> ()
    %mul3A_1 = arith.constant 10000 : i32
    %mul3A_2 = arith.muli %add3A, %mul3A_1 : i32
    "tpu.region"() ({
      %run_scoped3A = tpu.sem_alloc : memref<!tpu.dma_semaphore, #tpu.memory_space<semaphore_mem>>
      %dma_start3A_22 = tpu.memref_slice %arg2[%mul3A_2] : memref<320000xi32, #tpu.memory_space<hbm>> -> memref<10000xi32, #tpu.memory_space<hbm>>
      %dma_start3A_23 = tpu.memref_slice %arg2[%mul3A_2] : memref<320000xi32, #tpu.memory_space<hbm>> -> memref<10000xi32, #tpu.memory_space<hbm>>
      tpu.enqueue_dma source(%dma_start3A_23 : memref<10000xi32, #tpu.memory_space<hbm>>) target(%arg7 : memref<10000xi32, #tpu.memory_space<vmem>>) target_semaphore(%run_scoped3A : memref<!tpu.dma_semaphore, #tpu.memory_space<semaphore_mem>>)
      %dma_wait3A_24 = tpu.memref_slice %arg2[%mul3A_2] : memref<320000xi32, #tpu.memory_space<hbm>> -> memref<10000xi32, #tpu.memory_space<hbm>>
      %dma_wait3A_25 = tpu.memref_slice %arg2[%mul3A_2] : memref<320000xi32, #tpu.memory_space<hbm>> -> memref<10000xi32, #tpu.memory_space<hbm>>
      tpu.wait_dma2 semaphore(%run_scoped3A : memref<!tpu.dma_semaphore, #tpu.memory_space<semaphore_mem>>) src(%dma_wait3A_25 : memref<10000xi32, #tpu.memory_space<hbm>>) dst(%arg7 : memref<10000xi32, #tpu.memory_space<vmem>>)
      tpu.yield
    }) : () -> ()
    %mul3A_3 = arith.constant 625 : i32
    %mul3A_4 = arith.muli %arg1, %mul3A_3 : i32
    "tpu.region"() ({
      %run_scoped3A = tpu.sem_alloc : memref<!tpu.dma_semaphore, #tpu.memory_space<semaphore_mem>>
      %dma_start3A_22 = arith.constant 0 : i32
      %dma_start3A_23 = tpu.memref_slice %arg8[%mul3A_4, %dma_start3A_22] : memref<10000x128xf32, #tpu.memory_space<vmem_shared>> -> memref<625x128xf32, #tpu.memory_space<vmem_shared>>
      tpu.enqueue_dma source(%arg4 : memref<625x128xf32, #tpu.memory_space<hbm>>) target(%dma_start3A_23 : memref<625x128xf32, #tpu.memory_space<vmem_shared>>) target_semaphore(%run_scoped3A : memref<!tpu.dma_semaphore, #tpu.memory_space<semaphore_mem>>)
      %dma_wait3A_24 = arith.constant 0 : i32
      %dma_wait3A_25 = tpu.memref_slice %arg8[%mul3A_4, %dma_wait3A_24] : memref<10000x128xf32, #tpu.memory_space<vmem_shared>> -> memref<625x128xf32, #tpu.memory_space<vmem_shared>>
      tpu.wait_dma2 semaphore(%run_scoped3A : memref<!tpu.dma_semaphore, #tpu.memory_space<semaphore_mem>>) src(%arg4 : memref<625x128xf32, #tpu.memory_space<hbm>>) dst(%dma_wait3A_25 : memref<625x128xf32, #tpu.memory_space<vmem_shared>>)
      tpu.yield
    }) : () -> ()
    %barrier3A = arith.constant 0 : index
    tpu.barrier barrier_id(%barrier3A)
    %scan3A = arith.constant 0 : i32
    %scan3A_5 = arith.constant 0 : i32
    %scan3A_6 = arith.constant 62 : i32
    %scan3A_7 = arith.addi %scan3A_5, %scan3A_6 : i32
    %scan3A_8 = arith.constant 1 : i32
    %scan3A_9 = scf.for %scan3A_22 = %scan3A_5 to %scan3A_7 step %scan3A_8 iter_args(%scan3A_23 = %scan3A) -> (i32)  : i32 {
      %mul3A_24 = arith.constant 2 : i32
      %mul3A_25 = arith.muli %mul3A_24, %scan3A_22 : i32
      %mul3A_26 = arith.constant 80 : i32
      %mul3A_27 = arith.muli %mul3A_25, %mul3A_26 : i32
      %dma_start3A_28 = tpu.memref_slice %arg7[%mul3A_27] : memref<10000xi32, #tpu.memory_space<vmem>> -> memref<80xi32, #tpu.memory_space<vmem>>
      %dma_start3A_29 = arith.constant 0 : i32
      %dma_start3A_30 = arith.constant 0 : i32
      %dma_start3A_31 = tpu.memref_slice %arg8[%dma_start3A_29, %dma_start3A_30] : memref<10000x128xf32, #tpu.memory_space<vmem_shared>> -> memref<10000x128xf32, #tpu.memory_space<vmem_shared>>
      tpu.enqueue_indirect_dma source(%arg6 : memref<80x128xf32, #tpu.memory_space<vmem>>) target(%dma_start3A_31 : memref<10000x128xf32, #tpu.memory_space<vmem_shared>>) offsets(%dma_start3A_28 : memref<80xi32, #tpu.memory_space<vmem>>) semaphore(%arg9 : memref<!tpu.dma_semaphore, #tpu.memory_space<semaphore_mem>>) {add = true}
      %add3A_32 = arith.constant 1 : i32
      %add3A_33 = arith.addi %mul3A_25, %add3A_32 : i32
      %mul3A_34 = arith.constant 80 : i32
      %mul3A_35 = arith.muli %add3A_33, %mul3A_34 : i32
      %dma_start3A_36 = tpu.memref_slice %arg7[%mul3A_35] : memref<10000xi32, #tpu.memory_space<vmem>> -> memref<80xi32, #tpu.memory_space<vmem>>
      %dma_start3A_37 = arith.constant 0 : i32
      %dma_start3A_38 = arith.constant 0 : i32
      %dma_start3A_39 = tpu.memref_slice %arg8[%dma_start3A_37, %dma_start3A_38] : memref<10000x128xf32, #tpu.memory_space<vmem_shared>> -> memref<10000x128xf32, #tpu.memory_space<vmem_shared>>
      tpu.enqueue_indirect_dma source(%arg6 : memref<80x128xf32, #tpu.memory_space<vmem>>) target(%dma_start3A_39 : memref<10000x128xf32, #tpu.memory_space<vmem_shared>>) offsets(%dma_start3A_36 : memref<80xi32, #tpu.memory_space<vmem>>) semaphore(%arg10 : memref<!tpu.dma_semaphore, #tpu.memory_space<semaphore_mem>>) {add = true}
      %dma_wait3A_40 = tpu.memref_slice %arg7[%mul3A_27] : memref<10000xi32, #tpu.memory_space<vmem>> -> memref<80xi32, #tpu.memory_space<vmem>>
      %dma_wait3A_41 = arith.constant 0 : i32
      %dma_wait3A_42 = arith.constant 0 : i32
      %dma_wait3A_43 = tpu.memref_slice %arg8[%dma_wait3A_41, %dma_wait3A_42] : memref<10000x128xf32, #tpu.memory_space<vmem_shared>> -> memref<10000x128xf32, #tpu.memory_space<vmem_shared>>
      tpu.wait_indirect_dma semaphore(%arg9 : memref<!tpu.dma_semaphore, #tpu.memory_space<semaphore_mem>>) src(%arg6 : memref<80x128xf32, #tpu.memory_space<vmem>>) dst(%dma_wait3A_43 : memref<10000x128xf32, #tpu.memory_space<vmem_shared>>)
      %dma_wait3A_44 = tpu.memref_slice %arg7[%mul3A_35] : memref<10000xi32, #tpu.memory_space<vmem>> -> memref<80xi32, #tpu.memory_space<vmem>>
      %dma_wait3A_45 = arith.constant 0 : i32
      %dma_wait3A_46 = arith.constant 0 : i32
      %dma_wait3A_47 = tpu.memref_slice %arg8[%dma_wait3A_45, %dma_wait3A_46] : memref<10000x128xf32, #tpu.memory_space<vmem_shared>> -> memref<10000x128xf32, #tpu.memory_space<vmem_shared>>
      tpu.wait_indirect_dma semaphore(%arg10 : memref<!tpu.dma_semaphore, #tpu.memory_space<semaphore_mem>>) src(%arg6 : memref<80x128xf32, #tpu.memory_space<vmem>>) dst(%dma_wait3A_47 : memref<10000x128xf32, #tpu.memory_space<vmem_shared>>)
      %scan3A_48 = arith.constant 0 : i32
      scf.yield %scan3A_48 : i32
    }
    %scan3A_10 = arith.constant 62 : i32
    %dma_start3A = arith.constant 9920 : i32
    %dma_start3A_11 = tpu.memref_slice %arg7[%dma_start3A] : memref<10000xi32, #tpu.memory_space<vmem>> -> memref<80xi32, #tpu.memory_space<vmem>>
    %dma_start3A_12 = arith.constant 0 : i32
    %dma_start3A_13 = arith.constant 0 : i32
    %dma_start3A_14 = tpu.memref_slice %arg8[%dma_start3A_12, %dma_start3A_13] : memref<10000x128xf32, #tpu.memory_space<vmem_shared>> -> memref<10000x128xf32, #tpu.memory_space<vmem_shared>>
    tpu.enqueue_indirect_dma source(%arg6 : memref<80x128xf32, #tpu.memory_space<vmem>>) target(%dma_start3A_14 : memref<10000x128xf32, #tpu.memory_space<vmem_shared>>) offsets(%dma_start3A_11 : memref<80xi32, #tpu.memory_space<vmem>>) semaphore(%arg9 : memref<!tpu.dma_semaphore, #tpu.memory_space<semaphore_mem>>) {add = true}
    %dma_wait3A = arith.constant 9920 : i32
    %dma_wait3A_15 = tpu.memref_slice %arg7[%dma_wait3A] : memref<10000xi32, #tpu.memory_space<vmem>> -> memref<80xi32, #tpu.memory_space<vmem>>
    %dma_wait3A_16 = arith.constant 0 : i32
    %dma_wait3A_17 = arith.constant 0 : i32
    %dma_wait3A_18 = tpu.memref_slice %arg8[%dma_wait3A_16, %dma_wait3A_17] : memref<10000x128xf32, #tpu.memory_space<vmem_shared>> -> memref<10000x128xf32, #tpu.memory_space<vmem_shared>>
    tpu.wait_indirect_dma semaphore(%arg9 : memref<!tpu.dma_semaphore, #tpu.memory_space<semaphore_mem>>) src(%arg6 : memref<80x128xf32, #tpu.memory_space<vmem>>) dst(%dma_wait3A_18 : memref<10000x128xf32, #tpu.memory_space<vmem_shared>>)
    %barrier3A_19 = arith.constant 0 : index
    tpu.barrier barrier_id(%barrier3A_19)
    %mul3A_20 = arith.constant 625 : i32
    %mul3A_21 = arith.muli %arg1, %mul3A_20 : i32
    "tpu.region"() ({
      %run_scoped3A = tpu.sem_alloc : memref<!tpu.dma_semaphore, #tpu.memory_space<semaphore_mem>>
      %dma_start3A_22 = arith.constant 0 : i32
      %dma_start3A_23 = arith.constant 0 : i32
      %dma_start3A_24 = tpu.memref_slice %arg5[%arg0, %arg1, %dma_start3A_22, %dma_start3A_23] : memref<2x16x625x128xf32, #tpu.memory_space<hbm>> -> memref<1x1x625x128xf32, #tpu.memory_space<hbm>>
      %dma_start3A_25 = tpu.memref_squeeze %dma_start3A_24 : memref<1x1x625x128xf32, #tpu.memory_space<hbm>> -> memref<625x128xf32, #tpu.memory_space<hbm>>
      %dma_start3A_26 = arith.constant 0 : i32
      %dma_start3A_27 = tpu.memref_slice %arg8[%mul3A_21, %dma_start3A_26] : memref<10000x128xf32, #tpu.memory_space<vmem_shared>> -> memref<625x128xf32, #tpu.memory_space<vmem_shared>>
      tpu.enqueue_dma source(%dma_start3A_27 : memref<625x128xf32, #tpu.memory_space<vmem_shared>>) target(%dma_start3A_25 : memref<625x128xf32, #tpu.memory_space<hbm>>) target_semaphore(%run_scoped3A : memref<!tpu.dma_semaphore, #tpu.memory_space<semaphore_mem>>)
      %dma_wait3A_28 = arith.constant 0 : i32
      %dma_wait3A_29 = arith.constant 0 : i32
      %dma_wait3A_30 = tpu.memref_slice %arg5[%arg0, %arg1, %dma_wait3A_28, %dma_wait3A_29] : memref<2x16x625x128xf32, #tpu.memory_space<hbm>> -> memref<1x1x625x128xf32, #tpu.memory_space<hbm>>
      %dma_wait3A_31 = tpu.memref_squeeze %dma_wait3A_30 : memref<1x1x625x128xf32, #tpu.memory_space<hbm>> -> memref<625x128xf32, #tpu.memory_space<hbm>>
      %dma_wait3A_32 = arith.constant 0 : i32
      %dma_wait3A_33 = tpu.memref_slice %arg8[%mul3A_21, %dma_wait3A_32] : memref<10000x128xf32, #tpu.memory_space<vmem_shared>> -> memref<625x128xf32, #tpu.memory_space<vmem_shared>>
      tpu.wait_dma2 semaphore(%run_scoped3A : memref<!tpu.dma_semaphore, #tpu.memory_space<semaphore_mem>>) src(%dma_wait3A_33 : memref<625x128xf32, #tpu.memory_space<vmem_shared>>) dst(%dma_wait3A_31 : memref<625x128xf32, #tpu.memory_space<hbm>>)
      tpu.yield
    }) : () -> ()
    return
  }
}

#map = affine_map<(d0, d1) -> (0, 0)>
#map1 = affine_map<(d0, d1) -> (0)>
#map2 = affine_map<(d0, d1) -> (0, 0, 0, 0)>
module attributes {stable_mosaic.version = 14 : i64} {
  func.func @_scatter_kernel(%arg0: i32, %arg1: i32, %arg2: memref<10000x128xf32, #tpu.memory_space<hbm>>, %arg3: memref<320000xi32, #tpu.memory_space<hbm>>, %arg4: memref<320000xi32, #tpu.memory_space<hbm>>, %arg5: memref<625x128xf32, #tpu.memory_space<hbm>>, %arg6: memref<2x16x625x128xf32, #tpu.memory_space<hbm>>, %arg7: memref<80x128xf32, #tpu.memory_space<vmem>>, %arg8: memref<80x128xf32, #tpu.memory_space<vmem>>, %arg9: memref<10000xi32, #tpu.memory_space<vmem>>, %arg10: memref<10000xi32, #tpu.memory_space<vmem>>, %arg11: memref<10000x128xf32, #tpu.memory_space<vmem_shared>>, %arg12: memref<!tpu.dma_semaphore, #tpu.memory_space<semaphore_mem>>, %arg13: memref<!tpu.dma_semaphore, #tpu.memory_space<semaphore_mem>>, %arg14: memref<!tpu.dma_semaphore, #tpu.memory_space<semaphore_mem>>, %arg15: memref<!tpu.dma_semaphore, #tpu.memory_space<semaphore_mem>>) attributes {dimension_semantics = [#tpu.dimension_semantics<core_parallel>, #tpu.dimension_semantics<subcore_parallel>], iteration_bounds = array<i64: 2, 16>, scalar_prefetch = 0 : i64, scratch_operands = 9 : i64, tpu.core_type = #tpu.core_type<sc_vector_subcore>, window_params = [{transform_indices = #map}, {transform_indices = #map1}, {transform_indices = #map1}, {transform_indices = #map}, {transform_indices = #map2}]} {
    %mul3A = arith.constant 16 : i32
    %mul3A_0 = arith.muli %arg0, %mul3A : i32
    %add3A = arith.addi %mul3A_0, %arg1 : i32
    %mul3A_1 = arith.constant 10000 : i32
    %mul3A_2 = arith.muli %add3A, %mul3A_1 : i32
    "tpu.region"() ({
      %run_scoped3A = tpu.sem_alloc : memref<!tpu.dma_semaphore, #tpu.memory_space<semaphore_mem>>
      %dma_start3A_34 = tpu.memref_slice %arg3[%mul3A_2] : memref<320000xi32, #tpu.memory_space<hbm>> -> memref<10000xi32, #tpu.memory_space<hbm>>
      %dma_start3A_35 = tpu.memref_slice %arg3[%mul3A_2] : memref<320000xi32, #tpu.memory_space<hbm>> -> memref<10000xi32, #tpu.memory_space<hbm>>
      tpu.enqueue_dma source(%dma_start3A_35 : memref<10000xi32, #tpu.memory_space<hbm>>) target(%arg9 : memref<10000xi32, #tpu.memory_space<vmem>>) target_semaphore(%run_scoped3A : memref<!tpu.dma_semaphore, #tpu.memory_space<semaphore_mem>>)
      %dma_wait3A_36 = tpu.memref_slice %arg3[%mul3A_2] : memref<320000xi32, #tpu.memory_space<hbm>> -> memref<10000xi32, #tpu.memory_space<hbm>>
      %dma_wait3A_37 = tpu.memref_slice %arg3[%mul3A_2] : memref<320000xi32, #tpu.memory_space<hbm>> -> memref<10000xi32, #tpu.memory_space<hbm>>
      tpu.wait_dma2 semaphore(%run_scoped3A : memref<!tpu.dma_semaphore, #tpu.memory_space<semaphore_mem>>) src(%dma_wait3A_37 : memref<10000xi32, #tpu.memory_space<hbm>>) dst(%arg9 : memref<10000xi32, #tpu.memory_space<vmem>>)
      tpu.yield
    }) : () -> ()
    %mul3A_3 = arith.constant 10000 : i32
    %mul3A_4 = arith.muli %add3A, %mul3A_3 : i32
    "tpu.region"() ({
      %run_scoped3A = tpu.sem_alloc : memref<!tpu.dma_semaphore, #tpu.memory_space<semaphore_mem>>
      %dma_start3A_34 = tpu.memref_slice %arg4[%mul3A_4] : memref<320000xi32, #tpu.memory_space<hbm>> -> memref<10000xi32, #tpu.memory_space<hbm>>
      %dma_start3A_35 = tpu.memref_slice %arg4[%mul3A_4] : memref<320000xi32, #tpu.memory_space<hbm>> -> memref<10000xi32, #tpu.memory_space<hbm>>
      tpu.enqueue_dma source(%dma_start3A_35 : memref<10000xi32, #tpu.memory_space<hbm>>) target(%arg10 : memref<10000xi32, #tpu.memory_space<vmem>>) target_semaphore(%run_scoped3A : memref<!tpu.dma_semaphore, #tpu.memory_space<semaphore_mem>>)
      %dma_wait3A_36 = tpu.memref_slice %arg4[%mul3A_4] : memref<320000xi32, #tpu.memory_space<hbm>> -> memref<10000xi32, #tpu.memory_space<hbm>>
      %dma_wait3A_37 = tpu.memref_slice %arg4[%mul3A_4] : memref<320000xi32, #tpu.memory_space<hbm>> -> memref<10000xi32, #tpu.memory_space<hbm>>
      tpu.wait_dma2 semaphore(%run_scoped3A : memref<!tpu.dma_semaphore, #tpu.memory_space<semaphore_mem>>) src(%dma_wait3A_37 : memref<10000xi32, #tpu.memory_space<hbm>>) dst(%arg10 : memref<10000xi32, #tpu.memory_space<vmem>>)
      tpu.yield
    }) : () -> ()
    %mul3A_5 = arith.constant 625 : i32
    %mul3A_6 = arith.muli %arg1, %mul3A_5 : i32
    "tpu.region"() ({
      %run_scoped3A = tpu.sem_alloc : memref<!tpu.dma_semaphore, #tpu.memory_space<semaphore_mem>>
      %dma_start3A_34 = arith.constant 0 : i32
      %dma_start3A_35 = tpu.memref_slice %arg11[%mul3A_6, %dma_start3A_34] : memref<10000x128xf32, #tpu.memory_space<vmem_shared>> -> memref<625x128xf32, #tpu.memory_space<vmem_shared>>
      tpu.enqueue_dma source(%arg5 : memref<625x128xf32, #tpu.memory_space<hbm>>) target(%dma_start3A_35 : memref<625x128xf32, #tpu.memory_space<vmem_shared>>) target_semaphore(%run_scoped3A : memref<!tpu.dma_semaphore, #tpu.memory_space<semaphore_mem>>)
      %dma_wait3A_36 = arith.constant 0 : i32
      %dma_wait3A_37 = tpu.memref_slice %arg11[%mul3A_6, %dma_wait3A_36] : memref<10000x128xf32, #tpu.memory_space<vmem_shared>> -> memref<625x128xf32, #tpu.memory_space<vmem_shared>>
      tpu.wait_dma2 semaphore(%run_scoped3A : memref<!tpu.dma_semaphore, #tpu.memory_space<semaphore_mem>>) src(%arg5 : memref<625x128xf32, #tpu.memory_space<hbm>>) dst(%dma_wait3A_37 : memref<625x128xf32, #tpu.memory_space<vmem_shared>>)
      tpu.yield
    }) : () -> ()
    %barrier3A = arith.constant 0 : index
    tpu.barrier barrier_id(%barrier3A)
    %scan3A = arith.constant 0 : i32
    %scan3A_7 = arith.constant 0 : i32
    %scan3A_8 = arith.constant 62 : i32
    %scan3A_9 = arith.addi %scan3A_7, %scan3A_8 : i32
    %scan3A_10 = arith.constant 1 : i32
    %scan3A_11 = scf.for %scan3A_34 = %scan3A_7 to %scan3A_9 step %scan3A_10 iter_args(%scan3A_35 = %scan3A) -> (i32)  : i32 {
      %mul3A_36 = arith.constant 2 : i32
      %mul3A_37 = arith.muli %mul3A_36, %scan3A_34 : i32
      %mul3A_38 = arith.constant 80 : i32
      %mul3A_39 = arith.muli %mul3A_37, %mul3A_38 : i32
      %dma_start3A_40 = tpu.memref_slice %arg9[%mul3A_39] : memref<10000xi32, #tpu.memory_space<vmem>> -> memref<80xi32, #tpu.memory_space<vmem>>
      %dma_start3A_41 = arith.constant 0 : i32
      %dma_start3A_42 = arith.constant 0 : i32
      %dma_start3A_43 = tpu.memref_slice %arg2[%dma_start3A_41, %dma_start3A_42] : memref<10000x128xf32, #tpu.memory_space<hbm>> -> memref<10000x128xf32, #tpu.memory_space<hbm>>
      tpu.enqueue_indirect_dma source(%dma_start3A_43 : memref<10000x128xf32, #tpu.memory_space<hbm>>) target(%arg7 : memref<80x128xf32, #tpu.memory_space<vmem>>) offsets(%dma_start3A_40 : memref<80xi32, #tpu.memory_space<vmem>>) semaphore(%arg12 : memref<!tpu.dma_semaphore, #tpu.memory_space<semaphore_mem>>)
      %add3A_44 = arith.constant 1 : i32
      %add3A_45 = arith.addi %mul3A_37, %add3A_44 : i32
      %mul3A_46 = arith.constant 80 : i32
      %mul3A_47 = arith.muli %add3A_45, %mul3A_46 : i32
      %dma_start3A_48 = tpu.memref_slice %arg9[%mul3A_47] : memref<10000xi32, #tpu.memory_space<vmem>> -> memref<80xi32, #tpu.memory_space<vmem>>
      %dma_start3A_49 = arith.constant 0 : i32
      %dma_start3A_50 = arith.constant 0 : i32
      %dma_start3A_51 = tpu.memref_slice %arg2[%dma_start3A_49, %dma_start3A_50] : memref<10000x128xf32, #tpu.memory_space<hbm>> -> memref<10000x128xf32, #tpu.memory_space<hbm>>
      tpu.enqueue_indirect_dma source(%dma_start3A_51 : memref<10000x128xf32, #tpu.memory_space<hbm>>) target(%arg8 : memref<80x128xf32, #tpu.memory_space<vmem>>) offsets(%dma_start3A_48 : memref<80xi32, #tpu.memory_space<vmem>>) semaphore(%arg13 : memref<!tpu.dma_semaphore, #tpu.memory_space<semaphore_mem>>)
      %dma_wait3A_52 = tpu.memref_slice %arg9[%mul3A_39] : memref<10000xi32, #tpu.memory_space<vmem>> -> memref<80xi32, #tpu.memory_space<vmem>>
      %dma_wait3A_53 = arith.constant 0 : i32
      %dma_wait3A_54 = arith.constant 0 : i32
      %dma_wait3A_55 = tpu.memref_slice %arg2[%dma_wait3A_53, %dma_wait3A_54] : memref<10000x128xf32, #tpu.memory_space<hbm>> -> memref<10000x128xf32, #tpu.memory_space<hbm>>
      tpu.wait_indirect_dma semaphore(%arg12 : memref<!tpu.dma_semaphore, #tpu.memory_space<semaphore_mem>>) src(%dma_wait3A_55 : memref<10000x128xf32, #tpu.memory_space<hbm>>) dst(%arg7 : memref<80x128xf32, #tpu.memory_space<vmem>>)
      %mul3A_56 = arith.constant 80 : i32
      %mul3A_57 = arith.muli %mul3A_37, %mul3A_56 : i32
      %dma_start3A_58 = tpu.memref_slice %arg10[%mul3A_57] : memref<10000xi32, #tpu.memory_space<vmem>> -> memref<80xi32, #tpu.memory_space<vmem>>
      %dma_start3A_59 = arith.constant 0 : i32
      %dma_start3A_60 = arith.constant 0 : i32
      %dma_start3A_61 = tpu.memref_slice %arg11[%dma_start3A_59, %dma_start3A_60] : memref<10000x128xf32, #tpu.memory_space<vmem_shared>> -> memref<10000x128xf32, #tpu.memory_space<vmem_shared>>
      tpu.enqueue_indirect_dma source(%arg7 : memref<80x128xf32, #tpu.memory_space<vmem>>) target(%dma_start3A_61 : memref<10000x128xf32, #tpu.memory_space<vmem_shared>>) offsets(%dma_start3A_58 : memref<80xi32, #tpu.memory_space<vmem>>) semaphore(%arg14 : memref<!tpu.dma_semaphore, #tpu.memory_space<semaphore_mem>>) {add = true}
      %dma_wait3A_62 = tpu.memref_slice %arg9[%mul3A_47] : memref<10000xi32, #tpu.memory_space<vmem>> -> memref<80xi32, #tpu.memory_space<vmem>>
      %dma_wait3A_63 = arith.constant 0 : i32
      %dma_wait3A_64 = arith.constant 0 : i32
      %dma_wait3A_65 = tpu.memref_slice %arg2[%dma_wait3A_63, %dma_wait3A_64] : memref<10000x128xf32, #tpu.memory_space<hbm>> -> memref<10000x128xf32, #tpu.memory_space<hbm>>
      tpu.wait_indirect_dma semaphore(%arg13 : memref<!tpu.dma_semaphore, #tpu.memory_space<semaphore_mem>>) src(%dma_wait3A_65 : memref<10000x128xf32, #tpu.memory_space<hbm>>) dst(%arg8 : memref<80x128xf32, #tpu.memory_space<vmem>>)
      %add3A_66 = arith.constant 1 : i32
      %add3A_67 = arith.addi %mul3A_37, %add3A_66 : i32
      %mul3A_68 = arith.constant 80 : i32
      %mul3A_69 = arith.muli %add3A_67, %mul3A_68 : i32
      %dma_start3A_70 = tpu.memref_slice %arg10[%mul3A_69] : memref<10000xi32, #tpu.memory_space<vmem>> -> memref<80xi32, #tpu.memory_space<vmem>>
      %dma_start3A_71 = arith.constant 0 : i32
      %dma_start3A_72 = arith.constant 0 : i32
      %dma_start3A_73 = tpu.memref_slice %arg11[%dma_start3A_71, %dma_start3A_72] : memref<10000x128xf32, #tpu.memory_space<vmem_shared>> -> memref<10000x128xf32, #tpu.memory_space<vmem_shared>>
      tpu.enqueue_indirect_dma source(%arg8 : memref<80x128xf32, #tpu.memory_space<vmem>>) target(%dma_start3A_73 : memref<10000x128xf32, #tpu.memory_space<vmem_shared>>) offsets(%dma_start3A_70 : memref<80xi32, #tpu.memory_space<vmem>>) semaphore(%arg15 : memref<!tpu.dma_semaphore, #tpu.memory_space<semaphore_mem>>) {add = true}
      %dma_wait3A_74 = tpu.memref_slice %arg10[%mul3A_57] : memref<10000xi32, #tpu.memory_space<vmem>> -> memref<80xi32, #tpu.memory_space<vmem>>
      %dma_wait3A_75 = arith.constant 0 : i32
      %dma_wait3A_76 = arith.constant 0 : i32
      %dma_wait3A_77 = tpu.memref_slice %arg11[%dma_wait3A_75, %dma_wait3A_76] : memref<10000x128xf32, #tpu.memory_space<vmem_shared>> -> memref<10000x128xf32, #tpu.memory_space<vmem_shared>>
      tpu.wait_indirect_dma semaphore(%arg14 : memref<!tpu.dma_semaphore, #tpu.memory_space<semaphore_mem>>) src(%arg7 : memref<80x128xf32, #tpu.memory_space<vmem>>) dst(%dma_wait3A_77 : memref<10000x128xf32, #tpu.memory_space<vmem_shared>>)
      %dma_wait3A_78 = tpu.memref_slice %arg10[%mul3A_69] : memref<10000xi32, #tpu.memory_space<vmem>> -> memref<80xi32, #tpu.memory_space<vmem>>
      %dma_wait3A_79 = arith.constant 0 : i32
      %dma_wait3A_80 = arith.constant 0 : i32
      %dma_wait3A_81 = tpu.memref_slice %arg11[%dma_wait3A_79, %dma_wait3A_80] : memref<10000x128xf32, #tpu.memory_space<vmem_shared>> -> memref<10000x128xf32, #tpu.memory_space<vmem_shared>>
      tpu.wait_indirect_dma semaphore(%arg15 : memref<!tpu.dma_semaphore, #tpu.memory_space<semaphore_mem>>) src(%arg8 : memref<80x128xf32, #tpu.memory_space<vmem>>) dst(%dma_wait3A_81 : memref<10000x128xf32, #tpu.memory_space<vmem_shared>>)
      %scan3A_82 = arith.constant 0 : i32
      scf.yield %scan3A_82 : i32
    }
    %scan3A_12 = arith.constant 62 : i32
    %dma_start3A = arith.constant 9920 : i32
    %dma_start3A_13 = tpu.memref_slice %arg9[%dma_start3A] : memref<10000xi32, #tpu.memory_space<vmem>> -> memref<80xi32, #tpu.memory_space<vmem>>
    %dma_start3A_14 = arith.constant 0 : i32
    %dma_start3A_15 = arith.constant 0 : i32
    %dma_start3A_16 = tpu.memref_slice %arg2[%dma_start3A_14, %dma_start3A_15] : memref<10000x128xf32, #tpu.memory_space<hbm>> -> memref<10000x128xf32, #tpu.memory_space<hbm>>
    tpu.enqueue_indirect_dma source(%dma_start3A_16 : memref<10000x128xf32, #tpu.memory_space<hbm>>) target(%arg7 : memref<80x128xf32, #tpu.memory_space<vmem>>) offsets(%dma_start3A_13 : memref<80xi32, #tpu.memory_space<vmem>>) semaphore(%arg12 : memref<!tpu.dma_semaphore, #tpu.memory_space<semaphore_mem>>)
    %dma_wait3A = arith.constant 9920 : i32
    %dma_wait3A_17 = tpu.memref_slice %arg9[%dma_wait3A] : memref<10000xi32, #tpu.memory_space<vmem>> -> memref<80xi32, #tpu.memory_space<vmem>>
    %dma_wait3A_18 = arith.constant 0 : i32
    %dma_wait3A_19 = arith.constant 0 : i32
    %dma_wait3A_20 = tpu.memref_slice %arg2[%dma_wait3A_18, %dma_wait3A_19] : memref<10000x128xf32, #tpu.memory_space<hbm>> -> memref<10000x128xf32, #tpu.memory_space<hbm>>
    tpu.wait_indirect_dma semaphore(%arg12 : memref<!tpu.dma_semaphore, #tpu.memory_space<semaphore_mem>>) src(%dma_wait3A_20 : memref<10000x128xf32, #tpu.memory_space<hbm>>) dst(%arg7 : memref<80x128xf32, #tpu.memory_space<vmem>>)
    %dma_start3A_21 = arith.constant 9920 : i32
    %dma_start3A_22 = tpu.memref_slice %arg10[%dma_start3A_21] : memref<10000xi32, #tpu.memory_space<vmem>> -> memref<80xi32, #tpu.memory_space<vmem>>
    %dma_start3A_23 = arith.constant 0 : i32
    %dma_start3A_24 = arith.constant 0 : i32
    %dma_start3A_25 = tpu.memref_slice %arg11[%dma_start3A_23, %dma_start3A_24] : memref<10000x128xf32, #tpu.memory_space<vmem_shared>> -> memref<10000x128xf32, #tpu.memory_space<vmem_shared>>
    tpu.enqueue_indirect_dma source(%arg7 : memref<80x128xf32, #tpu.memory_space<vmem>>) target(%dma_start3A_25 : memref<10000x128xf32, #tpu.memory_space<vmem_shared>>) offsets(%dma_start3A_22 : memref<80xi32, #tpu.memory_space<vmem>>) semaphore(%arg14 : memref<!tpu.dma_semaphore, #tpu.memory_space<semaphore_mem>>) {add = true}
    %dma_wait3A_26 = arith.constant 9920 : i32
    %dma_wait3A_27 = tpu.memref_slice %arg10[%dma_wait3A_26] : memref<10000xi32, #tpu.memory_space<vmem>> -> memref<80xi32, #tpu.memory_space<vmem>>
    %dma_wait3A_28 = arith.constant 0 : i32
    %dma_wait3A_29 = arith.constant 0 : i32
    %dma_wait3A_30 = tpu.memref_slice %arg11[%dma_wait3A_28, %dma_wait3A_29] : memref<10000x128xf32, #tpu.memory_space<vmem_shared>> -> memref<10000x128xf32, #tpu.memory_space<vmem_shared>>
    tpu.wait_indirect_dma semaphore(%arg14 : memref<!tpu.dma_semaphore, #tpu.memory_space<semaphore_mem>>) src(%arg7 : memref<80x128xf32, #tpu.memory_space<vmem>>) dst(%dma_wait3A_30 : memref<10000x128xf32, #tpu.memory_space<vmem_shared>>)
    %barrier3A_31 = arith.constant 0 : index
    tpu.barrier barrier_id(%barrier3A_31)
    %mul3A_32 = arith.constant 625 : i32
    %mul3A_33 = arith.muli %arg1, %mul3A_32 : i32
    "tpu.region"() ({
      %run_scoped3A = tpu.sem_alloc : memref<!tpu.dma_semaphore, #tpu.memory_space<semaphore_mem>>
      %dma_start3A_34 = arith.constant 0 : i32
      %dma_start3A_35 = arith.constant 0 : i32
      %dma_start3A_36 = tpu.memref_slice %arg6[%arg0, %arg1, %dma_start3A_34, %dma_start3A_35] : memref<2x16x625x128xf32, #tpu.memory_space<hbm>> -> memref<1x1x625x128xf32, #tpu.memory_space<hbm>>
      %dma_start3A_37 = tpu.memref_squeeze %dma_start3A_36 : memref<1x1x625x128xf32, #tpu.memory_space<hbm>> -> memref<625x128xf32, #tpu.memory_space<hbm>>
      %dma_start3A_38 = arith.constant 0 : i32
      %dma_start3A_39 = tpu.memref_slice %arg11[%mul3A_33, %dma_start3A_38] : memref<10000x128xf32, #tpu.memory_space<vmem_shared>> -> memref<625x128xf32, #tpu.memory_space<vmem_shared>>
      tpu.enqueue_dma source(%dma_start3A_39 : memref<625x128xf32, #tpu.memory_space<vmem_shared>>) target(%dma_start3A_37 : memref<625x128xf32, #tpu.memory_space<hbm>>) target_semaphore(%run_scoped3A : memref<!tpu.dma_semaphore, #tpu.memory_space<semaphore_mem>>)
      %dma_wait3A_40 = arith.constant 0 : i32
      %dma_wait3A_41 = arith.constant 0 : i32
      %dma_wait3A_42 = tpu.memref_slice %arg6[%arg0, %arg1, %dma_wait3A_40, %dma_wait3A_41] : memref<2x16x625x128xf32, #tpu.memory_space<hbm>> -> memref<1x1x625x128xf32, #tpu.memory_space<hbm>>
      %dma_wait3A_43 = tpu.memref_squeeze %dma_wait3A_42 : memref<1x1x625x128xf32, #tpu.memory_space<hbm>> -> memref<625x128xf32, #tpu.memory_space<hbm>>
      %dma_wait3A_44 = arith.constant 0 : i32
      %dma_wait3A_45 = tpu.memref_slice %arg11[%mul3A_33, %dma_wait3A_44] : memref<10000x128xf32, #tpu.memory_space<vmem_shared>> -> memref<625x128xf32, #tpu.memory_space<vmem_shared>>
      tpu.wait_dma2 semaphore(%run_scoped3A : memref<!tpu.dma_semaphore, #tpu.memory_space<semaphore_mem>>) src(%dma_wait3A_45 : memref<625x128xf32, #tpu.memory_space<vmem_shared>>) dst(%dma_wait3A_43 : memref<625x128xf32, #tpu.memory_space<hbm>>)
      tpu.yield
    }) : () -> ()
    return
  }
}

module attributes {stable_mosaic.version = 14 : i64} {
  func.func @_t2_body(%arg0: i32, %arg1: memref<2x1000x128xf32, #tpu.memory_space<vmem>>, %arg2: memref<1000x128xf32, #tpu.memory_space<vmem>>, %arg3: memref<1000x1xf32, #tpu.memory_space<vmem>>, %arg4: memref<1x128xf32, #tpu.memory_space<vmem>>, %arg5: memref<128x128xf32, #tpu.memory_space<vmem>>, %arg6: memref<1000x128xf32, #tpu.memory_space<vmem>>) attributes {dimension_semantics = [#tpu.dimension_semantics<arbitrary>], iteration_bounds = array<i64: 10>, scalar_prefetch = 0 : i64, scratch_operands = 0 : i64, tpu.core_type = #tpu.core_type<tc>, window_params = [{transform_indices = @transform_0, window_bounds = array<i64: 2, 1000, 128>}, {transform_indices = @transform_1, window_bounds = array<i64: 1000, 128>}, {transform_indices = @transform_2, window_bounds = array<i64: 1000, 1>}, {pipeline_mode = #tpu.pipeline_mode<synchronous>, transform_indices = @transform_3, window_bounds = array<i64: 1, 128>}, {pipeline_mode = #tpu.pipeline_mode<synchronous>, transform_indices = @transform_4, window_bounds = array<i64: 128, 128>}, {transform_indices = @transform_5, window_bounds = array<i64: 1000, 128>}]} {
    %get3A = arith.constant 0 : index
    %get3A_0 = arith.constant 0 : index
    %get3A_1 = vector.load %arg3[%get3A, %get3A_0] : memref<1000x1xf32, #tpu.memory_space<vmem>>, vector<1000x1xf32>
    %get3A_2 = arith.constant 0 : index
    %get3A_3 = arith.constant 0 : index
    %get3A_4 = arith.constant 0 : index
    %get3A_5 = vector.load %arg1[%get3A_2, %get3A_3, %get3A_4] : memref<2x1000x128xf32, #tpu.memory_space<vmem>>, vector<1x1000x128xf32>
    %get3A_6 = vector.shape_cast %get3A_5 : vector<1x1000x128xf32> to vector<1000x128xf32>
    %get3A_7 = arith.constant 1 : index
    %get3A_8 = arith.constant 0 : index
    %get3A_9 = arith.constant 0 : index
    %get3A_10 = vector.load %arg1[%get3A_7, %get3A_8, %get3A_9] : memref<2x1000x128xf32, #tpu.memory_space<vmem>>, vector<1x1000x128xf32>
    %get3A_11 = vector.shape_cast %get3A_10 : vector<1x1000x128xf32> to vector<1000x128xf32>
    %add3A = arith.addf %get3A_6, %get3A_11 : vector<1000x128xf32>
    %get3A_12 = arith.constant 0 : index
    %get3A_13 = arith.constant 0 : index
    %get3A_14 = vector.load %arg2[%get3A_12, %get3A_13] : memref<1000x128xf32, #tpu.memory_space<vmem>>, vector<1000x128xf32>
    %add3A_15 = arith.addf %add3A, %get3A_14 : vector<1000x128xf32>
    %mul3A = vector.broadcast %get3A_1 : vector<1000x1xf32> to vector<1000x128xf32>
    %mul3A_16 = arith.mulf %add3A_15, %mul3A : vector<1000x128xf32>
    %get3A_17 = arith.constant 0 : index
    %get3A_18 = arith.constant 0 : index
    %get3A_19 = vector.load %arg4[%get3A_17, %get3A_18] : memref<1x128xf32, #tpu.memory_space<vmem>>, vector<1x128xf32>
    %add3A_20 = vector.broadcast %get3A_19 : vector<1x128xf32> to vector<1000x128xf32>
    %add3A_21 = arith.addf %mul3A_16, %add3A_20 : vector<1000x128xf32>
    %max3A = arith.constant 0.000000e+00 : f32
    %max3A_22 = vector.broadcast %max3A : f32 to vector<1000x128xf32>
    %max3A_23 = arith.maximumf %add3A_21, %max3A_22 : vector<1000x128xf32>
    %get3A_24 = arith.constant 0 : index
    %get3A_25 = arith.constant 0 : index
    %get3A_26 = vector.load %arg5[%get3A_24, %get3A_25] : memref<128x128xf32, #tpu.memory_space<vmem>>, vector<128x128xf32>
    %dot_general3A = arith.constant dense<0.000000e+00> : vector<1000x128xf32>
    %dot_general3A_27 = tpu.matmul %max3A_23, %get3A_26, %dot_general3A {dimension_numbers = #tpu.dot_dimension_numbers<[1], [0], [0], [1], [0, 0, 1, 1], [], []>, transpose_lhs_hint = false} : vector<1000x128xf32>, vector<128x128xf32>, vector<1000x128xf32> -> vector<1000x128xf32>
    %mul3A_28 = vector.broadcast %get3A_1 : vector<1000x1xf32> to vector<1000x128xf32>
    %mul3A_29 = arith.mulf %dot_general3A_27, %mul3A_28 : vector<1000x128xf32>
    %swap3A = arith.constant 0 : index
    %swap3A_30 = arith.constant 0 : index
    %swap3A_31 = vector.load %arg6[%swap3A, %swap3A_30] : memref<1000x128xf32, #tpu.memory_space<vmem>>, vector<1000x128xf32>
    tpu.vector_store %arg6[%swap3A, %swap3A_30], %mul3A_29 {strides = array<i32>} : memref<1000x128xf32, #tpu.memory_space<vmem>>, vector<1000x128xf32>,
    return
  }
  func.func @transform_0(%arg0: i32) -> (i32, i32, i32) {
    %c0_i32 = arith.constant 0 : i32
    %c0_i32_0 = arith.constant 0 : i32
    %c0_i32_1 = arith.constant 0 : i32
    return %c0_i32, %arg0, %c0_i32_0 : i32, i32, i32
  }
  func.func @transform_1(%arg0: i32) -> (i32, i32) {
    %c0_i32 = arith.constant 0 : i32
    %c0_i32_0 = arith.constant 0 : i32
    return %arg0, %c0_i32 : i32, i32
  }
  func.func @transform_2(%arg0: i32) -> (i32, i32) {
    %c0_i32 = arith.constant 0 : i32
    %c0_i32_0 = arith.constant 0 : i32
    return %arg0, %c0_i32 : i32, i32
  }
  func.func @transform_3(%arg0: i32) -> (i32, i32) {
    %c0_i32 = arith.constant 0 : i32
    %c0_i32_0 = arith.constant 0 : i32
    %c0_i32_1 = arith.constant 0 : i32
    return %c0_i32, %c0_i32_0 : i32, i32
  }
  func.func @transform_4(%arg0: i32) -> (i32, i32) {
    %c0_i32 = arith.constant 0 : i32
    %c0_i32_0 = arith.constant 0 : i32
    %c0_i32_1 = arith.constant 0 : i32
    return %c0_i32, %c0_i32_0 : i32, i32
  }
  func.func @transform_5(%arg0: i32) -> (i32, i32) {
    %c0_i32 = arith.constant 0 : i32
    %c0_i32_0 = arith.constant 0 : i32
    return %arg0, %c0_i32 : i32, i32
  }
}

module attributes {stable_mosaic.version = 14 : i64} {
  func.func @_t1_body(%arg0: i32, %arg1: memref<2x1000x128xf32, #tpu.memory_space<vmem>>, %arg2: memref<1000x128xf32, #tpu.memory_space<vmem>>, %arg3: memref<128x128xf32, #tpu.memory_space<vmem>>, %arg4: memref<1000x128xf32, #tpu.memory_space<vmem>>, %arg5: memref<1000x1xf32, #tpu.memory_space<vmem>>) attributes {dimension_semantics = [#tpu.dimension_semantics<arbitrary>], iteration_bounds = array<i64: 10>, scalar_prefetch = 0 : i64, scratch_operands = 0 : i64, tpu.core_type = #tpu.core_type<tc>, window_params = [{transform_indices = @transform_0, window_bounds = array<i64: 2, 1000, 128>}, {transform_indices = @transform_1, window_bounds = array<i64: 1000, 128>}, {pipeline_mode = #tpu.pipeline_mode<synchronous>, transform_indices = @transform_2, window_bounds = array<i64: 128, 128>}, {transform_indices = @transform_3, window_bounds = array<i64: 1000, 128>}, {transform_indices = @transform_4, window_bounds = array<i64: 1000, 1>}]} {
    %get3A = arith.constant 0 : index
    %get3A_0 = arith.constant 0 : index
    %get3A_1 = arith.constant 0 : index
    %get3A_2 = vector.load %arg1[%get3A, %get3A_0, %get3A_1] : memref<2x1000x128xf32, #tpu.memory_space<vmem>>, vector<1x1000x1xf32>
    %get3A_3 = vector.shape_cast %get3A_2 : vector<1x1000x1xf32> to vector<1000x1xf32>
    %get3A_4 = arith.constant 1 : index
    %get3A_5 = arith.constant 0 : index
    %get3A_6 = arith.constant 0 : index
    %get3A_7 = vector.load %arg1[%get3A_4, %get3A_5, %get3A_6] : memref<2x1000x128xf32, #tpu.memory_space<vmem>>, vector<1x1000x1xf32>
    %get3A_8 = vector.shape_cast %get3A_7 : vector<1x1000x1xf32> to vector<1000x1xf32>
    %add3A = arith.addf %get3A_3, %get3A_8 : vector<1000x1xf32>
    %add3A_9 = arith.constant 1.000000e+00 : f32
    %add3A_10 = vector.broadcast %add3A_9 : f32 to vector<1000x1xf32>
    %add3A_11 = arith.addf %add3A, %add3A_10 : vector<1000x1xf32>
    %rsqrt3A = math.rsqrt %add3A_11 : vector<1000x1xf32>
    %swap3A = arith.constant 0 : index
    %swap3A_12 = arith.constant 0 : index
    %swap3A_13 = vector.load %arg5[%swap3A, %swap3A_12] : memref<1000x1xf32, #tpu.memory_space<vmem>>, vector<1000x1xf32>
    tpu.vector_store %arg5[%swap3A, %swap3A_12], %rsqrt3A {strides = array<i32>} : memref<1000x1xf32, #tpu.memory_space<vmem>>, vector<1000x1xf32>,
    %get3A_14 = arith.constant 0 : index
    %get3A_15 = arith.constant 0 : index
    %get3A_16 = vector.load %arg2[%get3A_14, %get3A_15] : memref<1000x128xf32, #tpu.memory_space<vmem>>, vector<1000x128xf32>
    %get3A_17 = arith.constant 0 : index
    %get3A_18 = arith.constant 0 : index
    %get3A_19 = vector.load %arg3[%get3A_17, %get3A_18] : memref<128x128xf32, #tpu.memory_space<vmem>>, vector<128x128xf32>
    %dot_general3A = arith.constant dense<0.000000e+00> : vector<1000x128xf32>
    %dot_general3A_20 = tpu.matmul %get3A_16, %get3A_19, %dot_general3A {dimension_numbers = #tpu.dot_dimension_numbers<[1], [0], [0], [1], [0, 0, 1, 1], [], []>, transpose_lhs_hint = false} : vector<1000x128xf32>, vector<128x128xf32>, vector<1000x128xf32> -> vector<1000x128xf32>
    %mul3A = vector.broadcast %rsqrt3A : vector<1000x1xf32> to vector<1000x128xf32>
    %mul3A_21 = arith.mulf %dot_general3A_20, %mul3A : vector<1000x128xf32>
    %swap3A_22 = arith.constant 0 : index
    %swap3A_23 = arith.constant 0 : index
    %swap3A_24 = vector.load %arg4[%swap3A_22, %swap3A_23] : memref<1000x128xf32, #tpu.memory_space<vmem>>, vector<1000x128xf32>
    tpu.vector_store %arg4[%swap3A_22, %swap3A_23], %mul3A_21 {strides = array<i32>} : memref<1000x128xf32, #tpu.memory_space<vmem>>, vector<1000x128xf32>,
    return
  }
  func.func @transform_0(%arg0: i32) -> (i32, i32, i32) {
    %c0_i32 = arith.constant 0 : i32
    %c0_i32_0 = arith.constant 0 : i32
    %c0_i32_1 = arith.constant 0 : i32
    return %c0_i32, %arg0, %c0_i32_0 : i32, i32, i32
  }
  func.func @transform_1(%arg0: i32) -> (i32, i32) {
    %c0_i32 = arith.constant 0 : i32
    %c0_i32_0 = arith.constant 0 : i32
    return %arg0, %c0_i32 : i32, i32
  }
  func.func @transform_2(%arg0: i32) -> (i32, i32) {
    %c0_i32 = arith.constant 0 : i32
    %c0_i32_0 = arith.constant 0 : i32
    %c0_i32_1 = arith.constant 0 : i32
    return %c0_i32, %c0_i32_0 : i32, i32
  }
  func.func @transform_3(%arg0: i32) -> (i32, i32) {
    %c0_i32 = arith.constant 0 : i32
    %c0_i32_0 = arith.constant 0 : i32
    return %arg0, %c0_i32 : i32, i32
  }
  func.func @transform_4(%arg0: i32) -> (i32, i32) {
    %c0_i32 = arith.constant 0 : i32
    %c0_i32_0 = arith.constant 0 : i32
    return %arg0, %c0_i32 : i32, i32
  }
}

module attributes {stable_mosaic.version = 14 : i64} {
  func.func @_t4_body(%arg0: memref<64x128xf32, #tpu.memory_space<vmem>>, %arg1: memref<64x128xf32, #tpu.memory_space<vmem>>, %arg2: memref<64x1xf32, #tpu.memory_space<vmem>>, %arg3: memref<128x128xf32, #tpu.memory_space<vmem>>, %arg4: memref<128x128xf32, #tpu.memory_space<vmem>>, %arg5: memref<1x128xf32, #tpu.memory_space<vmem>>, %arg6: memref<128x64xf32, #tpu.memory_space<vmem>>, %arg7: memref<1x64xf32, #tpu.memory_space<vmem>>, %arg8: memref<64x1xf32, #tpu.memory_space<vmem>>, %arg9: memref<1x1xf32, #tpu.memory_space<vmem>>, %arg10: memref<64x1xf32, #tpu.memory_space<vmem>>) attributes {dimension_semantics = [], scalar_prefetch = 0 : i64, scratch_operands = 0 : i64, tpu.core_type = #tpu.core_type<tc>} {
    %get3A = arith.constant 0 : index
    %get3A_0 = arith.constant 0 : index
    %get3A_1 = vector.load %arg0[%get3A, %get3A_0] : memref<64x128xf32, #tpu.memory_space<vmem>>, vector<64x128xf32>
    %get3A_2 = arith.constant 0 : index
    %get3A_3 = arith.constant 0 : index
    %get3A_4 = vector.load %arg2[%get3A_2, %get3A_3] : memref<64x1xf32, #tpu.memory_space<vmem>>, vector<64x1xf32>
    %max3A = arith.constant 1.000000e+00 : f32
    %max3A_5 = vector.broadcast %max3A : f32 to vector<64x1xf32>
    %max3A_6 = arith.maximumf %get3A_4, %max3A_5 : vector<64x1xf32>
    %div3A = vector.broadcast %max3A_6 : vector<64x1xf32> to vector<64x128xf32>
    %div3A_7 = arith.divf %get3A_1, %div3A : vector<64x128xf32>
    %get3A_8 = arith.constant 0 : index
    %get3A_9 = arith.constant 0 : index
    %get3A_10 = vector.load %arg3[%get3A_8, %get3A_9] : memref<128x128xf32, #tpu.memory_space<vmem>>, vector<128x128xf32>
    %dot_general3A = arith.constant dense<0.000000e+00> : vector<64x128xf32>
    %dot_general3A_11 = tpu.matmul %div3A_7, %get3A_10, %dot_general3A {dimension_numbers = #tpu.dot_dimension_numbers<[1], [0], [0], [1], [0, 0, 1, 1], [], []>, transpose_lhs_hint = false} : vector<64x128xf32>, vector<128x128xf32>, vector<64x128xf32> -> vector<64x128xf32>
    %get3A_12 = arith.constant 0 : index
    %get3A_13 = arith.constant 0 : index
    %get3A_14 = vector.load %arg1[%get3A_12, %get3A_13] : memref<64x128xf32, #tpu.memory_space<vmem>>, vector<64x128xf32>
    %get3A_15 = arith.constant 0 : index
    %get3A_16 = arith.constant 0 : index
    %get3A_17 = vector.load %arg4[%get3A_15, %get3A_16] : memref<128x128xf32, #tpu.memory_space<vmem>>, vector<128x128xf32>
    %dot_general3A_18 = arith.constant dense<0.000000e+00> : vector<64x128xf32>
    %dot_general3A_19 = tpu.matmul %get3A_14, %get3A_17, %dot_general3A_18 {dimension_numbers = #tpu.dot_dimension_numbers<[1], [0], [0], [1], [0, 0, 1, 1], [], []>, transpose_lhs_hint = false} : vector<64x128xf32>, vector<128x128xf32>, vector<64x128xf32> -> vector<64x128xf32>
    %add3A = arith.addf %dot_general3A_11, %dot_general3A_19 : vector<64x128xf32>
    %get3A_20 = arith.constant 0 : index
    %get3A_21 = arith.constant 0 : index
    %get3A_22 = vector.load %arg5[%get3A_20, %get3A_21] : memref<1x128xf32, #tpu.memory_space<vmem>>, vector<1x128xf32>
    %add3A_23 = vector.broadcast %get3A_22 : vector<1x128xf32> to vector<64x128xf32>
    %add3A_24 = arith.addf %add3A, %add3A_23 : vector<64x128xf32>
    %max3A_25 = arith.constant 0.000000e+00 : f32
    %max3A_26 = vector.broadcast %max3A_25 : f32 to vector<64x128xf32>
    %max3A_27 = arith.maximumf %add3A_24, %max3A_26 : vector<64x128xf32>
    %get3A_28 = arith.constant 0 : index
    %get3A_29 = arith.constant 0 : index
    %get3A_30 = vector.load %arg6[%get3A_28, %get3A_29] : memref<128x64xf32, #tpu.memory_space<vmem>>, vector<128x64xf32>
    %dot_general3A_31 = arith.constant dense<0.000000e+00> : vector<64x64xf32>
    %dot_general3A_32 = tpu.matmul %max3A_27, %get3A_30, %dot_general3A_31 {dimension_numbers = #tpu.dot_dimension_numbers<[1], [0], [0], [1], [0, 0, 1, 1], [], []>, transpose_lhs_hint = false} : vector<64x128xf32>, vector<128x64xf32>, vector<64x64xf32> -> vector<64x64xf32>
    %get3A_33 = arith.constant 0 : index
    %get3A_34 = arith.constant 0 : index
    %get3A_35 = vector.load %arg7[%get3A_33, %get3A_34] : memref<1x64xf32, #tpu.memory_space<vmem>>, vector<1x64xf32>
    %add3A_36 = vector.broadcast %get3A_35 : vector<1x64xf32> to vector<64x64xf32>
    %add3A_37 = arith.addf %dot_general3A_32, %add3A_36 : vector<64x64xf32>
    %max3A_38 = arith.constant 0.000000e+00 : f32
    %max3A_39 = vector.broadcast %max3A_38 : f32 to vector<64x64xf32>
    %max3A_40 = arith.maximumf %add3A_37, %max3A_39 : vector<64x64xf32>
    %get3A_41 = arith.constant 0 : index
    %get3A_42 = arith.constant 0 : index
    %get3A_43 = vector.load %arg8[%get3A_41, %get3A_42] : memref<64x1xf32, #tpu.memory_space<vmem>>, vector<64x1xf32>
    %dot_general3A_44 = arith.constant dense<0.000000e+00> : vector<64x1xf32>
    %dot_general3A_45 = tpu.matmul %max3A_40, %get3A_43, %dot_general3A_44 {dimension_numbers = #tpu.dot_dimension_numbers<[1], [0], [0], [1], [0, 0, 1, 1], [], []>, transpose_lhs_hint = false} : vector<64x64xf32>, vector<64x1xf32>, vector<64x1xf32> -> vector<64x1xf32>
    %get3A_46 = arith.constant 0 : index
    %get3A_47 = arith.constant 0 : index
    %get3A_48 = vector.load %arg9[%get3A_46, %get3A_47] : memref<1x1xf32, #tpu.memory_space<vmem>>, vector<1x1xf32>
    %add3A_49 = vector.broadcast %get3A_48 : vector<1x1xf32> to vector<64x1xf32>
    %add3A_50 = arith.addf %dot_general3A_45, %add3A_49 : vector<64x1xf32>
    %logistic3A = arith.negf %add3A_50 : vector<64x1xf32>
    %logistic3A_51 = math.exp %logistic3A : vector<64x1xf32>
    %logistic3A_52 = arith.constant 1.000000e+00 : f32
    %logistic3A_53 = vector.broadcast %logistic3A_52 : f32 to vector<64x1xf32>
    %logistic3A_54 = arith.addf %logistic3A_53, %logistic3A_51 : vector<64x1xf32>
    %logistic3A_55 = arith.divf %logistic3A_53, %logistic3A_54 : vector<64x1xf32>
    %swap3A = arith.constant 0 : index
    %swap3A_56 = arith.constant 0 : index
    %swap3A_57 = vector.load %arg10[%swap3A, %swap3A_56] : memref<64x1xf32, #tpu.memory_space<vmem>>, vector<64x1xf32>
    tpu.vector_store %arg10[%swap3A, %swap3A_56], %logistic3A_55 {strides = array<i32>} : memref<64x1xf32, #tpu.memory_space<vmem>>, vector<64x1xf32>,
    return
  }
}

module attributes {stable_mosaic.version = 14 : i64} {
  func.func @_t3_body(%arg0: i32, %arg1: memref<2x1000x128xf32, #tpu.memory_space<vmem>>, %arg2: memref<1000x128xf32, #tpu.memory_space<vmem>>, %arg3: memref<1000x1xf32, #tpu.memory_space<vmem>>, %arg4: memref<1x128xf32, #tpu.memory_space<vmem>>, %arg5: memref<1x1000x1xi32, #tpu.memory_space<vmem>>, %arg6: memref<64x128xf32, #tpu.memory_space<vmem>>, %arg7: memref<64x128xf32, #tpu.memory_space<vmem>>, %arg8: memref<64x1xf32, #tpu.memory_space<vmem>>) attributes {dimension_semantics = [#tpu.dimension_semantics<arbitrary>], iteration_bounds = array<i64: 10>, scalar_prefetch = 0 : i64, scratch_operands = 0 : i64, tpu.core_type = #tpu.core_type<tc>, window_params = [{transform_indices = @transform_0, window_bounds = array<i64: 2, 1000, 128>}, {transform_indices = @transform_1, window_bounds = array<i64: 1000, 128>}, {transform_indices = @transform_2, window_bounds = array<i64: 1000, 1>}, {pipeline_mode = #tpu.pipeline_mode<synchronous>, transform_indices = @transform_3, window_bounds = array<i64: 1, 128>}, {transform_indices = @transform_4, window_bounds = array<i64: 1, 1000, 1>}, {pipeline_mode = #tpu.pipeline_mode<synchronous>, transform_indices = @transform_5, window_bounds = array<i64: 64, 128>}, {pipeline_mode = #tpu.pipeline_mode<synchronous>, transform_indices = @transform_6, window_bounds = array<i64: 64, 128>}, {pipeline_mode = #tpu.pipeline_mode<synchronous>, transform_indices = @transform_7, window_bounds = array<i64: 64, 1>}]} {
    %get3A = arith.constant 0 : index
    %get3A_0 = arith.constant 0 : index
    %get3A_1 = arith.constant 0 : index
    %get3A_2 = vector.load %arg1[%get3A, %get3A_0, %get3A_1] : memref<2x1000x128xf32, #tpu.memory_space<vmem>>, vector<1x1000x128xf32>
    %get3A_3 = vector.shape_cast %get3A_2 : vector<1x1000x128xf32> to vector<1000x128xf32>
    %get3A_4 = arith.constant 1 : index
    %get3A_5 = arith.constant 0 : index
    %get3A_6 = arith.constant 0 : index
    %get3A_7 = vector.load %arg1[%get3A_4, %get3A_5, %get3A_6] : memref<2x1000x128xf32, #tpu.memory_space<vmem>>, vector<1x1000x128xf32>
    %get3A_8 = vector.shape_cast %get3A_7 : vector<1x1000x128xf32> to vector<1000x128xf32>
    %add3A = arith.addf %get3A_3, %get3A_8 : vector<1000x128xf32>
    %get3A_9 = arith.constant 0 : index
    %get3A_10 = arith.constant 0 : index
    %get3A_11 = vector.load %arg2[%get3A_9, %get3A_10] : memref<1000x128xf32, #tpu.memory_space<vmem>>, vector<1000x128xf32>
    %add3A_12 = arith.addf %add3A, %get3A_11 : vector<1000x128xf32>
    %get3A_13 = arith.constant 0 : index
    %get3A_14 = arith.constant 0 : index
    %get3A_15 = vector.load %arg3[%get3A_13, %get3A_14] : memref<1000x1xf32, #tpu.memory_space<vmem>>, vector<1000x1xf32>
    %mul3A = vector.broadcast %get3A_15 : vector<1000x1xf32> to vector<1000x128xf32>
    %mul3A_16 = arith.mulf %add3A_12, %mul3A : vector<1000x128xf32>
    %get3A_17 = arith.constant 0 : index
    %get3A_18 = arith.constant 0 : index
    %get3A_19 = vector.load %arg4[%get3A_17, %get3A_18] : memref<1x128xf32, #tpu.memory_space<vmem>>, vector<1x128xf32>
    %add3A_20 = vector.broadcast %get3A_19 : vector<1x128xf32> to vector<1000x128xf32>
    %add3A_21 = arith.addf %mul3A_16, %add3A_20 : vector<1000x128xf32>
    %max3A = arith.constant 0.000000e+00 : f32
    %max3A_22 = vector.broadcast %max3A : f32 to vector<1000x128xf32>
    %max3A_23 = arith.maximumf %add3A_21, %max3A_22 : vector<1000x128xf32>
    %get3A_24 = arith.constant 0 : index
    %get3A_25 = arith.constant 0 : index
    %get3A_26 = arith.constant 0 : index
    %get3A_27 = vector.load %arg5[%get3A_24, %get3A_25, %get3A_26] : memref<1x1000x1xi32, #tpu.memory_space<vmem>>, vector<1x1000x1xi32>
    %get3A_28 = vector.shape_cast %get3A_27 : vector<1x1000x1xi32> to vector<1000x1xi32>
    %eq3A = arith.constant 0 : i32
    %eq3A_29 = arith.cmpi eq, %arg0, %eq3A : i32
    %convert_element_type3A = arith.extui %eq3A_29 : i1 to i32
    %cond3A = arith.constant 0 : i32
    %cond3A_30 = arith.cmpi ne, %convert_element_type3A, %cond3A : i32
    scf.if %cond3A_30 {
      %broadcast_in_dim3A_74 = arith.constant 0.000000e+00 : f32
      %broadcast_in_dim3A_75 = vector.broadcast %broadcast_in_dim3A_74 : f32 to vector<64x128xf32>
      %swap3A_76 = arith.constant 0 : index
      %swap3A_77 = arith.constant 0 : index
      %swap3A_78 = vector.load %arg6[%swap3A_76, %swap3A_77] : memref<64x128xf32, #tpu.memory_space<vmem>>, vector<64x128xf32>
      tpu.vector_store %arg6[%swap3A_76, %swap3A_77], %broadcast_in_dim3A_75 {strides = array<i32>} : memref<64x128xf32, #tpu.memory_space<vmem>>, vector<64x128xf32>,
      %broadcast_in_dim3A_79 = arith.constant 0xFF800000 : f32
      %broadcast_in_dim3A_80 = vector.broadcast %broadcast_in_dim3A_79 : f32 to vector<64x128xf32>
      %swap3A_81 = arith.constant 0 : index
      %swap3A_82 = arith.constant 0 : index
      %swap3A_83 = vector.load %arg7[%swap3A_81, %swap3A_82] : memref<64x128xf32, #tpu.memory_space<vmem>>, vector<64x128xf32>
      tpu.vector_store %arg7[%swap3A_81, %swap3A_82], %broadcast_in_dim3A_80 {strides = array<i32>} : memref<64x128xf32, #tpu.memory_space<vmem>>, vector<64x128xf32>,
      %broadcast_in_dim3A_84 = arith.constant 0.000000e+00 : f32
      %broadcast_in_dim3A_85 = vector.broadcast %broadcast_in_dim3A_84 : f32 to vector<64x1xf32>
      %swap3A_86 = arith.constant 0 : index
      %swap3A_87 = arith.constant 0 : index
      %swap3A_88 = vector.load %arg8[%swap3A_86, %swap3A_87] : memref<64x1xf32, #tpu.memory_space<vmem>>, vector<64x1xf32>
      tpu.vector_store %arg8[%swap3A_86, %swap3A_87], %broadcast_in_dim3A_85 {strides = array<i32>} : memref<64x1xf32, #tpu.memory_space<vmem>>, vector<64x1xf32>,
    } else {
    }
    %iota3A = tpu.iota {dimensions = array<i32: 1>} : vector<1000x64xi32>
    %eq3A_31 = vector.broadcast %get3A_28 : vector<1000x1xi32> to vector<1000x64xi32>
    %eq3A_32 = arith.cmpi eq, %iota3A, %eq3A_31 : vector<1000x64xi32>
    %convert_element_type3A_33 = arith.extui %eq3A_32 : vector<1000x64xi1> to vector<1000x64xi32>
    %convert_element_type3A_34 = arith.sitofp %convert_element_type3A_33 : vector<1000x64xi32> to vector<1000x64xf32>
    %get3A_35 = arith.constant 0 : index
    %get3A_36 = arith.constant 0 : index
    %get3A_37 = vector.load %arg6[%get3A_35, %get3A_36] : memref<64x128xf32, #tpu.memory_space<vmem>>, vector<64x128xf32>
    %dot_general3A = arith.constant dense<0.000000e+00> : vector<64x128xf32>
    %dot_general3A_38 = tpu.matmul %convert_element_type3A_34, %max3A_23, %dot_general3A {dimension_numbers = #tpu.dot_dimension_numbers<[0], [0], [1], [1], [0, 1, 1, 1], [], []>, transpose_lhs_hint = false} : vector<1000x64xf32>, vector<1000x128xf32>, vector<64x128xf32> -> vector<64x128xf32>
    %add3A_39 = arith.addf %get3A_37, %dot_general3A_38 : vector<64x128xf32>
    %swap3A = arith.constant 0 : index
    %swap3A_40 = arith.constant 0 : index
    %swap3A_41 = vector.load %arg6[%swap3A, %swap3A_40] : memref<64x128xf32, #tpu.memory_space<vmem>>, vector<64x128xf32>
    tpu.vector_store %arg6[%swap3A, %swap3A_40], %add3A_39 {strides = array<i32>} : memref<64x128xf32, #tpu.memory_space<vmem>>, vector<64x128xf32>,
    %get3A_42 = arith.constant 0 : index
    %get3A_43 = arith.constant 0 : index
    %get3A_44 = vector.load %arg8[%get3A_42, %get3A_43] : memref<64x1xf32, #tpu.memory_space<vmem>>, vector<64x1xf32>
    %broadcast_in_dim3A = arith.constant 1.000000e+00 : f32
    %broadcast_in_dim3A_45 = vector.broadcast %broadcast_in_dim3A : f32 to vector<1000x1xf32>
    %dot_general3A_46 = arith.constant dense<0.000000e+00> : vector<64x1xf32>
    %dot_general3A_47 = tpu.matmul %convert_element_type3A_34, %broadcast_in_dim3A_45, %dot_general3A_46 {dimension_numbers = #tpu.dot_dimension_numbers<[0], [0], [1], [1], [0, 1, 1, 1], [], []>, transpose_lhs_hint = false} : vector<1000x64xf32>, vector<1000x1xf32>, vector<64x1xf32> -> vector<64x1xf32>
    %add3A_48 = arith.addf %get3A_44, %dot_general3A_47 : vector<64x1xf32>
    %swap3A_49 = arith.constant 0 : index
    %swap3A_50 = arith.constant 0 : index
    %swap3A_51 = vector.load %arg8[%swap3A_49, %swap3A_50] : memref<64x1xf32, #tpu.memory_space<vmem>>, vector<64x1xf32>
    tpu.vector_store %arg8[%swap3A_49, %swap3A_50], %add3A_48 {strides = array<i32>} : memref<64x1xf32, #tpu.memory_space<vmem>>, vector<64x1xf32>,
    %get3A_52 = arith.constant 0 : index
    %get3A_53 = arith.constant 0 : index
    %get3A_54 = arith.constant 0 : index
    %get3A_55 = vector.load %arg5[%get3A_52, %get3A_53, %get3A_54] : memref<1x1000x1xi32, #tpu.memory_space<vmem>>, vector<1x1x1xi32>
    %get3A_56 = vector.extract %get3A_55[0, 0, 0] : i32 from vector<1x1x1xi32>
    %get3A_57 = arith.constant 0 : index
    %get3A_58 = arith.constant 999 : index
    %get3A_59 = arith.constant 0 : index
    %get3A_60 = vector.load %arg5[%get3A_57, %get3A_58, %get3A_59] : memref<1x1000x1xi32, #tpu.memory_space<vmem>>, vector<1x1x1xi32>
    %get3A_61 = vector.extract %get3A_60[0, 0, 0] : i32 from vector<1x1x1xi32>
    %add3A_62 = arith.constant 1 : i32
    %add3A_63 = arith.addi %get3A_61, %add3A_62 : i32
    %while3A = arith.constant 0 : i32
    %while3A_64 = arith.subi %add3A_63, %get3A_56 : i32
    %while3A_65 = arith.addi %get3A_56, %while3A_64 : i32
    %while3A_66 = arith.constant 1 : i32
    %while3A_67 = arith.divsi %while3A_64, %while3A_66 : i32
    %while3A_68 = arith.muli %while3A_67, %while3A_66 : i32
    %while3A_69 = arith.addi %get3A_56, %while3A_68 : i32
    %while3A_70 = arith.constant 1 : i32
    %while3A_71 = scf.for %while3A_74 = %get3A_56 to %while3A_69 step %while3A_70 iter_args(%while3A_75 = %while3A) -> (i32)  : i32 {
      %eq3A_76 = vector.broadcast %while3A_74 : i32 to vector<1000x1xi32>
      %eq3A_77 = arith.cmpi eq, %get3A_28, %eq3A_76 : vector<1000x1xi32>
      %jit3A = arith.constant 0xFF800000 : f32
      %broadcast_in_dim3A_78 = vector.shape_cast %eq3A_77 : vector<1000x1xi1> to vector<1000x1xi1>
      %broadcast_in_dim3A_79 = vector.broadcast %broadcast_in_dim3A_78 : vector<1000x1xi1> to vector<1000x128xi1>
      %broadcast_in_dim3A_80 = vector.broadcast %jit3A : f32 to vector<1000x128xf32>
      %select_n3A = arith.select %broadcast_in_dim3A_79, %max3A_23, %broadcast_in_dim3A_80 : vector<1000x128xi1>, vector<1000x128xf32>
      %reduce_max3A = arith.constant dense<0xFF800000> : vector<128xf32>
      %reduce_max3A_81 = vector.multi_reduction <maximumf>, %select_n3A, %reduce_max3A [0] : vector<1000x128xf32> to vector<128xf32>
      %broadcast_in_dim3A_82 = vector.shape_cast %reduce_max3A_81 : vector<128xf32> to vector<1x128xf32>
      %get3A_83 = arith.index_cast %while3A_74 : i32 to index
      %get3A_84 = arith.constant 0 : index
      %get3A_85 = vector.load %arg7[%get3A_83, %get3A_84] : memref<64x128xf32, #tpu.memory_space<vmem>>, vector<1x128xf32>
      %max3A_86 = arith.maximumf %get3A_85, %broadcast_in_dim3A_82 : vector<1x128xf32>
      %swap3A_87 = arith.index_cast %while3A_74 : i32 to index
      %swap3A_88 = arith.constant 0 : index
      %swap3A_89 = vector.load %arg7[%swap3A_87, %swap3A_88] : memref<64x128xf32, #tpu.memory_space<vmem>>, vector<1x128xf32>
      tpu.vector_store %arg7[%swap3A_87, %swap3A_88], %max3A_86 {strides = array<i32>} : memref<64x128xf32, #tpu.memory_space<vmem>>, vector<1x128xf32>,
      %while3A_90 = arith.constant 0 : i32
      scf.yield %while3A_90 : i32
    }
    %while3A_72 = arith.constant 1 : i32
    %while3A_73 = scf.for %while3A_74 = %while3A_69 to %while3A_65 step %while3A_72 iter_args(%while3A_75 = %while3A_71) -> (i32)  : i32 {
      %eq3A_76 = vector.broadcast %while3A_74 : i32 to vector<1000x1xi32>
      %eq3A_77 = arith.cmpi eq, %get3A_28, %eq3A_76 : vector<1000x1xi32>
      %jit3A = arith.constant 0xFF800000 : f32
      %broadcast_in_dim3A_78 = vector.shape_cast %eq3A_77 : vector<1000x1xi1> to vector<1000x1xi1>
      %broadcast_in_dim3A_79 = vector.broadcast %broadcast_in_dim3A_78 : vector<1000x1xi1> to vector<1000x128xi1>
      %broadcast_in_dim3A_80 = vector.broadcast %jit3A : f32 to vector<1000x128xf32>
      %select_n3A = arith.select %broadcast_in_dim3A_79, %max3A_23, %broadcast_in_dim3A_80 : vector<1000x128xi1>, vector<1000x128xf32>
      %reduce_max3A = arith.constant dense<0xFF800000> : vector<128xf32>
      %reduce_max3A_81 = vector.multi_reduction <maximumf>, %select_n3A, %reduce_max3A [0] : vector<1000x128xf32> to vector<128xf32>
      %broadcast_in_dim3A_82 = vector.shape_cast %reduce_max3A_81 : vector<128xf32> to vector<1x128xf32>
      %get3A_83 = arith.index_cast %while3A_74 : i32 to index
      %get3A_84 = arith.constant 0 : index
      %get3A_85 = vector.load %arg7[%get3A_83, %get3A_84] : memref<64x128xf32, #tpu.memory_space<vmem>>, vector<1x128xf32>
      %max3A_86 = arith.maximumf %get3A_85, %broadcast_in_dim3A_82 : vector<1x128xf32>
      %swap3A_87 = arith.index_cast %while3A_74 : i32 to index
      %swap3A_88 = arith.constant 0 : index
      %swap3A_89 = vector.load %arg7[%swap3A_87, %swap3A_88] : memref<64x128xf32, #tpu.memory_space<vmem>>, vector<1x128xf32>
      tpu.vector_store %arg7[%swap3A_87, %swap3A_88], %max3A_86 {strides = array<i32>} : memref<64x128xf32, #tpu.memory_space<vmem>>, vector<1x128xf32>,
      %while3A_90 = arith.constant 0 : i32
      scf.yield %while3A_90 : i32
    }
    return
  }
  func.func @transform_0(%arg0: i32) -> (i32, i32, i32) {
    %c0_i32 = arith.constant 0 : i32
    %c0_i32_0 = arith.constant 0 : i32
    %c0_i32_1 = arith.constant 0 : i32
    return %c0_i32, %arg0, %c0_i32_0 : i32, i32, i32
  }
  func.func @transform_1(%arg0: i32) -> (i32, i32) {
    %c0_i32 = arith.constant 0 : i32
    %c0_i32_0 = arith.constant 0 : i32
    return %arg0, %c0_i32 : i32, i32
  }
  func.func @transform_2(%arg0: i32) -> (i32, i32) {
    %c0_i32 = arith.constant 0 : i32
    %c0_i32_0 = arith.constant 0 : i32
    return %arg0, %c0_i32 : i32, i32
  }
  func.func @transform_3(%arg0: i32) -> (i32, i32) {
    %c0_i32 = arith.constant 0 : i32
    %c0_i32_0 = arith.constant 0 : i32
    %c0_i32_1 = arith.constant 0 : i32
    return %c0_i32, %c0_i32_0 : i32, i32
  }
  func.func @transform_4(%arg0: i32) -> (i32, i32, i32) {
    %c0_i32 = arith.constant 0 : i32
    %c0_i32_0 = arith.constant 0 : i32
    %c0_i32_1 = arith.constant 0 : i32
    return %arg0, %c0_i32, %c0_i32_0 : i32, i32, i32
  }
  func.func @transform_5(%arg0: i32) -> (i32, i32) {
    %c0_i32 = arith.constant 0 : i32
    %c0_i32_0 = arith.constant 0 : i32
    %c0_i32_1 = arith.constant 0 : i32
    return %c0_i32, %c0_i32_0 : i32, i32
  }
  func.func @transform_6(%arg0: i32) -> (i32, i32) {
    %c0_i32 = arith.constant 0 : i32
    %c0_i32_0 = arith.constant 0 : i32
    %c0_i32_1 = arith.constant 0 : i32
    return %c0_i32, %c0_i32_0 : i32, i32
  }
  func.func @transform_7(%arg0: i32) -> (i32, i32) {
    %c0_i32 = arith.constant 0 : i32
    %c0_i32_0 = arith.constant 0 : i32
    %c0_i32_1 = arith.constant 0 : i32
    return %c0_i32, %c0_i32_0 : i32, i32
  }
}

</mosaic_0001>

<sc_bundles>
// kernel: kernel.11.cloned.1.call-start
scs
__scs_entry_jumppad:
0x0: {  	(pc) =	sbr.rel $0x88, $3  }
0x1: {  	(tag) =	ssettag $0x0;
	lr =	simm.s32 $0x1  }
0x2: {  	[smem:$0x3F92] =	sst lr;
	_ =	strace $0xD0000000  }
0x3: {  	_ = 	snop  }
0x4: {  	_ = 	snop  }
0x5: {  	_ = 	snop  }
0x6: {  	_ = 	snop  }
0x7: {  	_ = 	snop  }
__scs_overlays_trampoline_lowered:
0x8: {  	[smem:$0x3FA1] =	sst s0  }
0x9: {  	[smem:$0x3FA2] =	sst s1  }
0xa: {  	[smem:$0x3FA3] =	sst s2  }
0xb: {  	[smem:$0x3FA4] =	sst s3  }
0xc: {  	[smem:$0x3FA5] =	sst s4  }
0xd: {  	[smem:$0x3FA6] =	sst s5  }
0xe: {  	[smem:$0x3FA7] =	sst s6  }
0xf: {  	[smem:$0x3FA8] =	sst s7  }
0x10: {  	[smem:$0x3FA9] =	sst s8  }
0x11: {  	[smem:$0x3FAA] =	sst s9;
	s0 =	simm.s32 @!p0 $0x0  }
0x12: {  	s1 =	sld [smem:$0x3F90];
	s0 =	simm.s32 @p0 $0x1  }
0x13: {  	[smem:$0x3FAB] =	sst s0;
	s0 =	simm.s32 @!p1 $0x0  }
0x14: {  	s2 =	sld [smem:$0x3F8F];
	s0 =	simm.s32 @p1 $0x1  }
0x15: {  	[smem:$0x3FAC] =	sst s0;
	s0 =	simm.s32 @!p2 $0x0  }
0x16: {  	s3 =	sld [smem:$0x3FDB];
	s0 =	simm.s32 @p2 $0x1  }
0x17: {  	s4 =	simm.s32 $0x1BF5;
	[smem:$0x3FAE] =	sst s0  }
0x18: {  	s0 =	sld [smem:$0x3F91];
	_ =	swait.ge [sflag:s4], $0x0  }
0x19: {  	s7 =	sld [smem:$0x3F92]  }
0x1a: {  	s8 =	sadd.s32 $0xFFFFE003, lr  }
0x1b: {  	s9 =	sadd.s32 $0xFFFFFEF7, lr;
	s5 =	simm.s32 $0xFFFFFFFF;
	p2 =	slt.u32 s8, $0xFFFFF086  }
0x1c: {  	p1 =	slt.u32 s9, $0xF7A;
	s5 =	simm.s32 @!p2 $0x0  }
0x1d: {  	s5 =	simm.s32 @p1 $0x1;
	p0 =	seq.s32 s7, s2  }
0x1e: {  	s7 =	smul.u32 @!p0 $0xF7A, s2;
	p2 =	seq.s32 @!p0 s5, $0x0  }
0x1f: {  	s9 =	smul.u32 $0xF7A, s1;
	s8 =	simm.s32 @!p0 $0x1BF5;
	p2 =	por !p2, p0  }
0x20: {  	[sflag:s8] =	ssyncset.s32 @!p0 $0xFFFFF086;
	s6 =	sadd.s32 @!p0 s3, s7;
	s7 =	simm.s32 @!p0 $0x108  }
0x21: {  	s3 =	sadd.s32 s3, s9;
	s6 =	sadd.s32 @!p0 $0x88, s6;
	s7 =	simm.s32 @p2 $0x1082  }
0x22: {  	[simem:s7], [sflag:s8] =	dma.local @!p0 [hbm:s6], $0xF7A  }
0x23: {  	s9 =	sor.u32 $0xD0000000, s2;
	s6 =	simm.s32 $0x108;
	_ =	swait.ge @!p0 [sflag:s8], $0x0  }
0x24: {  	s3 =	sadd.s32 $0x88, s3;
	s6 =	simm.s32 @!p1 $0x1082;
	[sflag:s4] =	ssyncset.s32 $0xFFFFF086  }
0x25: {  	[simem:s6], [sflag:s4] =	dma.local [hbm:s3], $0xF7A  }
0x26: {  	[smem:$0x3F92] =	sst s1;
	(tag) =	ssettag s2;
	_ =	strace s9  }
0x27: {  	s1 =	sld [smem:$0x3FA2]  }
0x28: {  	s2 =	sld [smem:$0x3FA3]  }
0x29: {  	s4 =	sld [smem:$0x3FA5]  }
0x2a: {  	p0 =	seq.s32 s5, $0x0;
	s5 =	sld [smem:$0x3FA6]  }
0x2b: {  	s6 =	sld [smem:$0x3FA7]  }
0x2c: {  	s7 =	sld [smem:$0x3FA8]  }
0x2d: {  	s3 =	simm.s32 $0x108;
	s8 =	sld [smem:$0x3FA9]  }
0x2e: {  	s3 =	simm.s32 @!p0 $0x1082;
	s9 =	sld [smem:$0x3FAA]  }
0x2f: {  	lr =	sadd.s32 s0, s3;
	s0 =	sld [smem:$0x3FA1]  }
0x30: {  	s3 =	sld [smem:$0x3FA4]  }
0x31: {  	[smem:$0x3FAD] =	sst s10  }
0x32: {  	s10 =	sld [smem:$0x3FAB];
	_ =	sdelay $0x3  }
0x33: {  	p0 =	seq.s32 s10, $0x1;
	s10 =	sld [smem:$0x3FAD];
	_ =	sdelay $0x3  }
0x34: {  	[smem:$0x3FAD] =	sst s10  }
0x35: {  	s10 =	sld [smem:$0x3FAC];
	_ =	sdelay $0x3  }
0x36: {  	p1 =	seq.s32 s10, $0x1;
	s10 =	sld [smem:$0x3FAD];
	_ =	sdelay $0x3  }
0x37: {  	[smem:$0x3FAD] =	sst s10  }
0x38: {  	s10 =	sld [smem:$0x3FAE]  }
0x39: {  	_ = 	snop;
	(pc) =	sbr.ind lr, $3  }
0x3a: {  	_ = 	snop  }
0x3b: {  	_ = 	snop  }
0x3c: {  	p2 =	seq.s32 s10, $0x1;
	s10 =	sld [smem:$0x3FAD]  }
0x3d: {  	_ =	shalt  }
0x3e: {  	_ =	shalt  }
0x3f: {  	_ =	shalt  }
0x40: {  	_ =	shalt  }
0x41: {  	_ =	shalt  }
0x42: {  	_ =	shalt  }
0x43: {  	_ =	shalt  }
0x44: {  	_ =	shalt  }
0x45: {  	_ =	shalt  }
0x46: {  	_ =	shalt  }
0x47: {  	_ =	shalt  }
0x48: {  	_ =	shalt  }
0x49: {  	_ =	shalt  }
0x4a: {  	_ =	shalt  }
0x4b: {  	_ =	shalt  }
0x4c: {  	_ =	shalt  }
0x4d: {  	_ =	shalt  }
0x4e: {  	_ =	shalt  }
0x4f: {  	_ =	shalt  }
0x50: {  	_ =	shalt  }
0x51: {  	_ =	shalt  }
0x52: {  	_ =	shalt  }
0x53: {  	_ =	shalt  }
0x54: {  	_ =	shalt  }
0x55: {  	_ =	shalt  }
0x56: {  	_ =	shalt  }
0x57: {  	_ =	shalt  }
0x58: {  	_ =	shalt  }
0x59: {  	_ =	shalt  }
0x5a: {  	_ =	shalt  }
0x5b: {  	_ =	shalt  }
0x5c: {  	_ =	shalt  }
0x5d: {  	_ =	shalt  }
0x5e: {  	_ =	shalt  }
0x5f: {  	_ =	shalt  }
0x60: {  	_ =	shalt  }
0x61: {  	_ =	shalt  }
0x62: {  	_ =	shalt  }
0x63: {  	_ =	shalt  }
0x64: {  	_ =	shalt  }
0x65: {  	_ =	shalt  }
0x66: {  	_ =	shalt  }
0x67: {  	_ =	shalt  }
0x68: {  	_ =	shalt  }
0x69: {  	_ =	shalt  }
0x6a: {  	_ =	shalt  }
0x6b: {  	_ =	shalt  }
0x6c: {  	_ =	shalt  }
0x6d: {  	_ =	shalt  }
0x6e: {  	_ =	shalt  }
0x6f: {  	_ =	shalt  }
0x70: {  	_ =	shalt  }
0x71: {  	_ =	shalt  }
0x72: {  	_ =	shalt  }
0x73: {  	_ =	shalt  }
0x74: {  	_ =	shalt  }
0x75: {  	_ =	shalt  }
0x76: {  	_ =	shalt  }
0x77: {  	_ =	shalt  }
0x78: {  	_ =	shalt  }
0x79: {  	_ =	shalt  }
0x7a: {  	_ =	shalt  }
0x7b: {  	_ =	shalt  }
0x7c: {  	_ =	shalt  }
0x7d: {  	_ =	shalt  }
0x7e: {  	_ =	shalt  }
0x7f: {  	_ =	shalt  }
0x80: {  	_ =	shalt  }
0x81: {  	_ =	shalt  }
0x82: {  	_ =	shalt  }
0x83: {  	_ =	shalt  }
0x84: {  	_ =	shalt  }
0x85: {  	_ =	shalt  }
0x86: {  	_ =	shalt  }
0x87: {  	_ =	shalt  }
.Lfunc_end0:
.L_simem_size_0:
called_computation_lowered:
.L_overlay_start_0:
0x88: {  	s2 =	sld [smem:$0x3FD9]  }
0x89: {  	s3 =	sld [smem:$0x3FFE];
	_ =	sdelay $0x1  }
0x8a: {  	s1 =	srdreg.scid  }
0x8b: {  	s0 =	sand.u32 $0x1, s1  }
0x8c: {  	s16 =	sshll.u32 s0, $0xA;
	s2 =	sadd.s32 s3, s2  }
0x8d: {  	s2 =	sadd.s32 s2, s16  }
0x8e: {  	[smem:$0x3FB9] =	sst s2  }
0x8f: {  	_ = 	snop  }
0x90: {  	(tm) =	ssettm $0x1  }
0x91: {  	s17 =	sld [smem:$0x3FFB];
	_ =	sdelay $0x3  }
0x92: {  	_ =	strace s17  }
0x93: {  	s2 =	sld [smem:$0x3FFC];
	_ =	sdelay $0x3  }
0x94: {  	_ =	strace s2  }
0x95: {  	s2 =	sld [smem:$0x3FFD];
	_ =	sdelay $0x3  }
0x96: {  	_ =	strace s2  }
0x97: {  	_ =	strace $0x8FFFFFFF  }
0x98: {  	s18 =	sld [smem:$0x3FDB];
	_ =	sdelay $0x1  }
0x99: {  	s19 =	simm.s32 $_scs_section_size  }
0x9a: {  	s4 =	simm.s32 $_size__tile_overlayer_lowered;
	s5 =	simm.s32 $_tile_overlayer_lowered  }
0x9b: {  	s22 =	simm.s32 $0x1BFF;
	s21 =	sshll.u32 s5, $0x1;
	s2 =	sadd.s32 s19, s18  }
0x9c: {  	s6 =	simm.s32 $0x0;
	s20 =	sshll.u32 s4, $0x1;
	s4 =	sadd.s32 s21, s2  }
0x9d: {  	[timem:s6], [sflag:s22] =	dma.local [hbm:s4], s20  }
0x9e: {  	_ =	swait.ge [sflag:s22], s20  }
0x9f: {  	s3 =	ssub.s32 $0x0, s20;
	[sflag:s22] =	ssyncset.done $0x0  }
0xa0: {  	[sflag:s22] =	ssyncadd.s32 s3;
	_ =	sdelay $0x1  }
0xa1: {  	s23 =	simm.s32 $0x1B8B  }
0xa2: {  	_ =	swait.ge [sflag:s23], $0x1  }
0xa3: {  	[sflag:s23] =	ssyncset.done $0x0  }
0xa4: {  	s25 =	simm.s32 $0x1B8E;
	s24 =	sld [smem:$0x3FFE];
	[sflag:s23] =	ssyncadd.s32 $0xFFFFFFFF  }
0xa5: {  	s26 =	simm.s32 $execute0_lowered;
	[smem:$0x3FD2] =	sst s25  }
0xa6: {  	s4 =	sshll.u32 s26, $0x1;
	_ =	strace $0x80000046;
	[dreg:$0x1] =	wrdreg $0xFFFFFFFF  }
0xa7: {  	s28 =	simm.s32 $_size_execute0_lowered;
	s2 =	sadd.s32 s2, s4;
	[dreg:$0x0] =	wrdreg $0x0  }
0xa8: {  	s4 =	sshll.u32 s28, $0x1;
	[dreg:$0x2] =	wrdreg s2  }
0xa9: {  	[dreg:$0x3] =	wrdreg s4  }
0xaa: {  	[dreg:$0x4] =	wrdreg $0xC0  }
0xab: {  	_ =	task [dreg:s6], $0x5FFFF  }
0xac: {  	[dreg:$0x1] =	wrdreg $0xFFFFFFFF  }
0xad: {  	[dreg:$0x0] =	wrdreg $0x60  }
0xae: {  	[dreg:$0x2] =	wrdreg s24  }
0xaf: {  	[dreg:$0x3] =	wrdreg $0x4F800  }
0xb0: {  	[dreg:$0x4] =	wrdreg $0x9  }
0xb1: {  	_ =	task.clear_ibuf [dreg:s6], $0x5FFFF;
	_ =	strace $0x90000046  }
0xb2: {  	s29 =	simm.s32 $0x9;
	_ =	strace $0x80000048  }
0xb3: {  	_ =	swait.ge [sflag:s29], $0x1  }
0xb4: {  	[sflag:s29] =	ssyncadd.s32 $0xFFFFFFFF  }
0xb5: {  	_ =	strace $0x90000048  }
0xb6: {  	_ =	sfence  }
0xb7: {  	s30 =	sld [smem:$0x0];
	_ =	sdelay $0x2  }
0xb8: {  	s31 =	sshll.u32 s1, $0xD;
	s1 =	sshrl.u32 s1, $0x2  }
0xb9: {  	s3 =	sand.u32 $0x4000, s31;
	s1 =	sadd.s32 s1, s30  }
0xba: {  	s0 =	sor.u32 s3, s0;
	s1 =	sshll.u32 s1, $0x11  }
0xbb: {  	s0 =	sor.u32 s1, s0  }
0xbc: {  	s0 =	sadd.s32 $0x8F2B, s0  }
0xbd: {  	[sflag:s0] =	ssyncadd.remote.s32 $0x1  }
0xbe: {  	_ =	sfence.sel $0xFFFF  }
0xbf: {  	[dreg:$0x0] =	wrdreg $0xFFFFFFFF;
	(pc) =	sbr.abs _section_cstart, $3  }
0xc0: {  	[dreg:$0x1] =	wrdreg $0xFFFFFFFF  }
0xc1: {  	_ =	task.clear_ibuf [dreg:s6], $0x2FFFF;
	_ =	strace $0x9FFFFFFF  }
0xc2: {  	(tm) =	ssettm $0x7FFFFFFF  }
0xc3: {  	_ =	shalt  }
tec
execute0_lowered:
.L_overlay_start_1:
0x0: {  	(tag) =	ssettag $0x1  }
0x1: {  	s7 =	rddreg [dreg:$0x0]  }
0x2: {  	s0 =	srdreg.scid;
	s2 =	rddreg [dreg:$0x1]  }
0x3: {  	s3 =	simm.s32 $0x0;
	s13 =	simm.s32 $0x50;
	s14 =	simm.s32 $0x1  }
0x4: {  	s15 =	simm.s32 $0x2;
	s16 =	simm.s32 $0x4EC0;
	s6 =	sand.u32 $0x1, s0  }
0x5: {  	s17 =	simm.s32 $0x0;
	s0 =	stileid.u32;
	s5 =	smul.u32 $0x13C000, s6  }
0x6: {  	[smem:$0x7FF] =	sst s3;
	s1 =	sshll.u32 s6, $0x4;
	s8 =	smul.u32 $0x13C00, s0  }
0x7: {  	s10 =	smul.u32 $0x4E200, s0;
	s6 =	ssub.s32 $0x2, s6;
	s11 =	sshll.u32 s0, $0x6  }
0x8: {  	s1 =	sor.u32 s0, s1;
	s31 =	sshrl.u32 s6, $0x1;
	s11 =	sor.u32 $0x1C03, s11  }
0x9: {  	s4 =	smul.u32 $0x4E2, s1;
	s1 =	rddreg [dreg:$0x2];
	_ =	strace $0x80000047  }
0xa: {  	s8 =	sadd.s32 s8, s5;
	s5 =	sadd.s32 $0x18800, s7;
	s10 =	sshrl.u32 s10, $0x2  }
0xb: {  	s8 =	sshrl.u32 s8, $0x3;
	s12 =	sadd.s32 s10, s2;
	s10 =	simm.s32 $0x2800  }
0xc: {  	s9 =	sadd.s32 s4, s7;
	s4 =	sadd.s32 $0x1B000, s7;
	s7 =	sadd.s32 s8, s7  }
0xd: {  	s8 =	ssub.s32 s6, s31;
	s12 =	sshrl.u32 s12, $0x3;
	s6 =	sadd.s32 $0xEA00, s9  }
0xe: {  	s7 =	sadd.s32 $0x1B600, s7;
	s8 =	smax.u32 s8, $0x1;
	s9 =	simm.s32 $0x3  }
.LBB2_1:
0xf: {  	[tilespmem:s3], [sflag:$0x3] =	stream.linear.gather [hbm4b:s4+s3], $0x2800, $0x38;
	[tilespmem:$0x18800] =	vst v63  }
0x10: {  	_ =	swait.ge [sflag:s9], $0x2800  }
0x11: {  	[sflag:s9] =	ssyncset.done $0x0  }
0x12: {  	[sflag:s9] =	ssyncadd.s32 $0xFFFFD800  }
0x13: {  	[tilespmem:s10], [sflag:$0x3] =	stream.linear.gather [hbm4b:s6+s3], $0x2710, $0x38;
	[tilespmem:$0x18800] =	vst v63  }
0x14: {  	_ =	swait.ge [sflag:s9], $0x2710  }
0x15: {  	[sflag:s9] =	ssyncset.done $0x0  }
0x16: {  	[sflag:s9] =	ssyncadd.s32 $0xFFFFD8F0  }
0x17: {  	[spmem:s12], [sflag:s11] =	dma.local [hbm:s5], $0x2710  }
0x18: {  	_ =	swait.ge [sflag:s9], $0x2710  }
0x19: {  	[sflag:s9] =	ssyncset.done $0x0  }
0x1a: {  	[sflag:s9] =	ssyncadd.s32 $0xFFFFD8F0  }
0x1b: {  	s18 =	simm.s32 $0x2800;
	[bflag:$0x0] =	sbarrier.arrive $0xFFFF  }
0x1c: {  	[spmem:s2] =	stream.indirect.scatter.add.f32 [tilespmem:s3], [sflag:$0x1], $0x80, s18, s13, $0xb8;
	[tilespmem:$0x18800] =	vst v63  }
0x1d: {  	s31 =	simm.s32 $0x2850  }
0x1e: {  	[spmem:s2] =	stream.indirect.scatter.add.f32 [tilespmem:s3], [sflag:$0x2], $0x80, s31, s13, $0xb8;
	[tilespmem:$0x18800] =	vst v63  }
0x1f: {  	_ =	swait.ge [sflag:s14], $0x2800  }
0x20: {  	[sflag:s14] =	ssyncset.done $0x0  }
0x21: {  	[sflag:s14] =	ssyncadd.s32 $0xFFFFD800  }
0x22: {  	_ =	swait.ge [sflag:s15], $0x2800  }
0x23: {  	s19 =	simm.s32 $0x500;
	s18 =	simm.s32 $0xA0;
	[sflag:s15] =	ssyncset.done $0x0  }
.LBB2_2:
0x24: {  	s20 =	sadd.s32 $0x2800, s18  }
0x25: {  	[sflag:s15] =	ssyncadd.s32 $0xFFFFD800;
	s21 =	smov.u32 s19;
	s22 =	sadd.s32 $0x280, s19  }
0x26: {  	[spmem:s2] =	stream.indirect.scatter.add.f32 [tilespmem:s3], [sflag:$0x1], $0x80, s20, s13, $0xb8;
	[tilespmem:$0x18800] =	vst v63  }
0x27: {  	p0 =	sne.s32 s19, $0x9880;
	s18 =	sadd.s32 $0x2850, s18  }
0x28: {  	[spmem:s2] =	stream.indirect.scatter.add.f32 [tilespmem:s3], [sflag:$0x2], $0x80, s18, s13, $0xb8;
	[tilespmem:$0x18800] =	vst v63  }
.Ltmp0:
0x29: {  	_ =	swait.ge [sflag:s14], $0x2800;
	(pc) =	sbr.rel @p0 .LBB2_2-.Ltmp0, $4  }
0x2a: {  	[sflag:s14] =	ssyncset.done $0x0  }
0x2b: {  	[sflag:s14] =	ssyncadd.s32 $0xFFFFD800  }
0x2c: {  	_ =	swait.ge [sflag:s15], $0x2800  }
0x2d: {  	s19 =	smov.u32 s22;
	s18 =	sshra.s32 s21, $0x2;
	[sflag:s15] =	ssyncset.done $0x0  }
0x2e: {  	s19 =	sadd.s32 $0x2800, s18;
	[sflag:s15] =	ssyncadd.s32 $0xFFFFD800  }
0x2f: {  	[spmem:s2] =	stream.indirect.scatter.add.f32 [tilespmem:s3], [sflag:$0x1], $0x80, s19, s13, $0xb8;
	[tilespmem:$0x18800] =	vst v63  }
0x30: {  	s31 =	sadd.s32 $0x2850, s18  }
0x31: {  	[spmem:s2] =	stream.indirect.scatter.add.f32 [tilespmem:s3], [sflag:$0x2], $0x80, s31, s13, $0xb8;
	[tilespmem:$0x18800] =	vst v63  }
0x32: {  	_ =	swait.ge [sflag:s14], $0x2800  }
0x33: {  	[sflag:s14] =	ssyncset.done $0x0  }
0x34: {  	[sflag:s14] =	ssyncadd.s32 $0xFFFFD800  }
0x35: {  	_ =	swait.ge [sflag:s15], $0x2800  }
0x36: {  	[sflag:s15] =	ssyncset.done $0x0  }
0x37: {  	[sflag:s15] =	ssyncadd.s32 $0xFFFFD800  }
0x38: {  	[spmem:s2] =	stream.indirect.scatter.add.f32 [tilespmem:s3], [sflag:$0x1], $0x80, s16, s13, $0xb8;
	[tilespmem:$0x18800] =	vst v63  }
0x39: {  	_ =	swait.ge [sflag:s14], $0x2800  }
0x3a: {  	s17 =	sadd.s32 $0x1, s17;
	[sflag:s14] =	ssyncset.done $0x0  }
0x3b: {  	p0 =	sne.s32 s17, s8;
	[sflag:s14] =	ssyncadd.s32 $0xFFFFD800  }
.Ltmp1:
0x3c: {  	[bflag:$0x0] =	sbarrier.arrive $0xFFFF;
	(pc) =	sbr.rel @p0 .LBB2_1-.Ltmp1, $4  }
0x3d: {  	[hbm:s7], [sflag:s11] =	dma.local [spmem:s12], $0x2710  }
0x3e: {  	_ =	swait.ge [sflag:s9], $0x2710  }
0x3f: {  	[sflag:s9] =	ssyncset.done $0x0  }
0x40: {  	[sflag:s9] =	ssyncadd.s32 $0xFFFFD8F0  }
0x41: {  	_ =	sfence.sel $0x180000  }
0x42: {  	[bflag:$0x0] =	sbarrier.arrive $0xFFFF  }
0x43: {  	p0 =	sne.s32 s0, $0x0;
	_ =	strace $0x90000047  }
0x44: {  	s0 =	sadd.s32 @!p0 $0x100000, s1;
	[bflag:$0x2] =	sbarrier.arrive $0xFFFF  }
0x45: {  	[sflag:s0] =	ssyncadd.tile.s32 @!p0 $0x1;
	_ =	shalt  }
.Lfunc_end2:
_tile_overlayer_lowered:
.L_overlay_start_2:
0x46: {  	(tag) =	ssettag $0x2  }
0x47: {  	s0 =	rddreg [dreg:$0x0];
	s2 =	stileid.u32  }
0x48: {  	s1 =	rddreg [dreg:$0x1];
	p0 =	sne.s32 s2, $0x0  }
0x49: {  	s3 =	rddreg [dreg:$0x2];
	[bflag:$0x3] =	sbarrier.arrive $0xFFFF;
	s2 =	simm.s32 @!p0 $0x1C03  }
0x4a: {  	[timem:s3], [sflag:s2] =	dma.local @!p0 [hbm:s0], s1  }
0x4b: {  	s0 =	simm.s32 @!p0 $0x3  }
0x4c: {  	_ =	swait.ge @!p0 [sflag:s0], s1  }
0x4d: {  	s1 =	ssub.s32 @!p0 $0x0, s1;
	[sflag:s0] =	ssyncset.done @!p0 $0x0  }
0x4e: {  	[sflag:s0] =	ssyncadd.s32 @!p0 s1  }
0x4f: {  	[bflag:$0x3] =	sbarrier.arrive $0xFFFF  }
0x50: {  	_ =	shalt  }

// kernel: kernel.14.cloned.1.call-start
scs
__scs_entry_jumppad:
0x0: {  	(pc) =	sbr.rel $0x88, $3  }
0x1: {  	(tag) =	ssettag $0x0;
	lr =	simm.s32 $0x1  }
0x2: {  	[smem:$0x3F92] =	sst lr;
	_ =	strace $0xD0000000  }
0x3: {  	_ = 	snop  }
0x4: {  	_ = 	snop  }
0x5: {  	_ = 	snop  }
0x6: {  	_ = 	snop  }
0x7: {  	_ = 	snop  }
__scs_overlays_trampoline_lowered:
0x8: {  	[smem:$0x3FA1] =	sst s0  }
0x9: {  	[smem:$0x3FA2] =	sst s1  }
0xa: {  	[smem:$0x3FA3] =	sst s2  }
0xb: {  	[smem:$0x3FA4] =	sst s3  }
0xc: {  	[smem:$0x3FA5] =	sst s4  }
0xd: {  	[smem:$0x3FA6] =	sst s5  }
0xe: {  	[smem:$0x3FA7] =	sst s6  }
0xf: {  	[smem:$0x3FA8] =	sst s7  }
0x10: {  	[smem:$0x3FA9] =	sst s8  }
0x11: {  	[smem:$0x3FAA] =	sst s9;
	s0 =	simm.s32 @!p0 $0x0  }
0x12: {  	s1 =	sld [smem:$0x3F90];
	s0 =	simm.s32 @p0 $0x1  }
0x13: {  	[smem:$0x3FAB] =	sst s0;
	s0 =	simm.s32 @!p1 $0x0  }
0x14: {  	s2 =	sld [smem:$0x3F8F];
	s0 =	simm.s32 @p1 $0x1  }
0x15: {  	[smem:$0x3FAC] =	sst s0;
	s0 =	simm.s32 @!p2 $0x0  }
0x16: {  	s3 =	sld [smem:$0x3FDB];
	s0 =	simm.s32 @p2 $0x1  }
0x17: {  	s4 =	simm.s32 $0x1BF5;
	[smem:$0x3FAE] =	sst s0  }
0x18: {  	s0 =	sld [smem:$0x3F91];
	_ =	swait.ge [sflag:s4], $0x0  }
0x19: {  	s7 =	sld [smem:$0x3F92]  }
0x1a: {  	s8 =	sadd.s32 $0xFFFFE003, lr  }
0x1b: {  	s9 =	sadd.s32 $0xFFFFFEF7, lr;
	s5 =	simm.s32 $0xFFFFFFFF;
	p2 =	slt.u32 s8, $0xFFFFF086  }
0x1c: {  	p1 =	slt.u32 s9, $0xF7A;
	s5 =	simm.s32 @!p2 $0x0  }
0x1d: {  	s5 =	simm.s32 @p1 $0x1;
	p0 =	seq.s32 s7, s2  }
0x1e: {  	s7 =	smul.u32 @!p0 $0xF7A, s2;
	p2 =	seq.s32 @!p0 s5, $0x0  }
0x1f: {  	s9 =	smul.u32 $0xF7A, s1;
	s8 =	simm.s32 @!p0 $0x1BF5;
	p2 =	por !p2, p0  }
0x20: {  	[sflag:s8] =	ssyncset.s32 @!p0 $0xFFFFF086;
	s6 =	sadd.s32 @!p0 s3, s7;
	s7 =	simm.s32 @!p0 $0x108  }
0x21: {  	s3 =	sadd.s32 s3, s9;
	s6 =	sadd.s32 @!p0 $0x88, s6;
	s7 =	simm.s32 @p2 $0x1082  }
0x22: {  	[simem:s7], [sflag:s8] =	dma.local @!p0 [hbm:s6], $0xF7A  }
0x23: {  	s9 =	sor.u32 $0xD0000000, s2;
	s6 =	simm.s32 $0x108;
	_ =	swait.ge @!p0 [sflag:s8], $0x0  }
0x24: {  	s3 =	sadd.s32 $0x88, s3;
	s6 =	simm.s32 @!p1 $0x1082;
	[sflag:s4] =	ssyncset.s32 $0xFFFFF086  }
0x25: {  	[simem:s6], [sflag:s4] =	dma.local [hbm:s3], $0xF7A  }
0x26: {  	[smem:$0x3F92] =	sst s1;
	(tag) =	ssettag s2;
	_ =	strace s9  }
0x27: {  	s1 =	sld [smem:$0x3FA2]  }
0x28: {  	s2 =	sld [smem:$0x3FA3]  }
0x29: {  	s4 =	sld [smem:$0x3FA5]  }
0x2a: {  	p0 =	seq.s32 s5, $0x0;
	s5 =	sld [smem:$0x3FA6]  }
0x2b: {  	s6 =	sld [smem:$0x3FA7]  }
0x2c: {  	s7 =	sld [smem:$0x3FA8]  }
0x2d: {  	s3 =	simm.s32 $0x108;
	s8 =	sld [smem:$0x3FA9]  }
0x2e: {  	s3 =	simm.s32 @!p0 $0x1082;
	s9 =	sld [smem:$0x3FAA]  }
0x2f: {  	lr =	sadd.s32 s0, s3;
	s0 =	sld [smem:$0x3FA1]  }
0x30: {  	s3 =	sld [smem:$0x3FA4]  }
0x31: {  	[smem:$0x3FAD] =	sst s10  }
0x32: {  	s10 =	sld [smem:$0x3FAB];
	_ =	sdelay $0x3  }
0x33: {  	p0 =	seq.s32 s10, $0x1;
	s10 =	sld [smem:$0x3FAD];
	_ =	sdelay $0x3  }
0x34: {  	[smem:$0x3FAD] =	sst s10  }
0x35: {  	s10 =	sld [smem:$0x3FAC];
	_ =	sdelay $0x3  }
0x36: {  	p1 =	seq.s32 s10, $0x1;
	s10 =	sld [smem:$0x3FAD];
	_ =	sdelay $0x3  }
0x37: {  	[smem:$0x3FAD] =	sst s10  }
0x38: {  	s10 =	sld [smem:$0x3FAE]  }
0x39: {  	_ = 	snop;
	(pc) =	sbr.ind lr, $3  }
0x3a: {  	_ = 	snop  }
0x3b: {  	_ = 	snop  }
0x3c: {  	p2 =	seq.s32 s10, $0x1;
	s10 =	sld [smem:$0x3FAD]  }
0x3d: {  	_ =	shalt  }
0x3e: {  	_ =	shalt  }
0x3f: {  	_ =	shalt  }
0x40: {  	_ =	shalt  }
0x41: {  	_ =	shalt  }
0x42: {  	_ =	shalt  }
0x43: {  	_ =	shalt  }
0x44: {  	_ =	shalt  }
0x45: {  	_ =	shalt  }
0x46: {  	_ =	shalt  }
0x47: {  	_ =	shalt  }
0x48: {  	_ =	shalt  }
0x49: {  	_ =	shalt  }
0x4a: {  	_ =	shalt  }
0x4b: {  	_ =	shalt  }
0x4c: {  	_ =	shalt  }
0x4d: {  	_ =	shalt  }
0x4e: {  	_ =	shalt  }
0x4f: {  	_ =	shalt  }
0x50: {  	_ =	shalt  }
0x51: {  	_ =	shalt  }
0x52: {  	_ =	shalt  }
0x53: {  	_ =	shalt  }
0x54: {  	_ =	shalt  }
0x55: {  	_ =	shalt  }
0x56: {  	_ =	shalt  }
0x57: {  	_ =	shalt  }
0x58: {  	_ =	shalt  }
0x59: {  	_ =	shalt  }
0x5a: {  	_ =	shalt  }
0x5b: {  	_ =	shalt  }
0x5c: {  	_ =	shalt  }
0x5d: {  	_ =	shalt  }
0x5e: {  	_ =	shalt  }
0x5f: {  	_ =	shalt  }
0x60: {  	_ =	shalt  }
0x61: {  	_ =	shalt  }
0x62: {  	_ =	shalt  }
0x63: {  	_ =	shalt  }
0x64: {  	_ =	shalt  }
0x65: {  	_ =	shalt  }
0x66: {  	_ =	shalt  }
0x67: {  	_ =	shalt  }
0x68: {  	_ =	shalt  }
0x69: {  	_ =	shalt  }
0x6a: {  	_ =	shalt  }
0x6b: {  	_ =	shalt  }
0x6c: {  	_ =	shalt  }
0x6d: {  	_ =	shalt  }
0x6e: {  	_ =	shalt  }
0x6f: {  	_ =	shalt  }
0x70: {  	_ =	shalt  }
0x71: {  	_ =	shalt  }
0x72: {  	_ =	shalt  }
0x73: {  	_ =	shalt  }
0x74: {  	_ =	shalt  }
0x75: {  	_ =	shalt  }
0x76: {  	_ =	shalt  }
0x77: {  	_ =	shalt  }
0x78: {  	_ =	shalt  }
0x79: {  	_ =	shalt  }
0x7a: {  	_ =	shalt  }
0x7b: {  	_ =	shalt  }
0x7c: {  	_ =	shalt  }
0x7d: {  	_ =	shalt  }
0x7e: {  	_ =	shalt  }
0x7f: {  	_ =	shalt  }
0x80: {  	_ =	shalt  }
0x81: {  	_ =	shalt  }
0x82: {  	_ =	shalt  }
0x83: {  	_ =	shalt  }
0x84: {  	_ =	shalt  }
0x85: {  	_ =	shalt  }
0x86: {  	_ =	shalt  }
0x87: {  	_ =	shalt  }
.Lfunc_end0:
.L_simem_size_0:
called_computation.1_lowered:
.L_overlay_start_0:
0x88: {  	s2 =	sld [smem:$0x3FD9]  }
0x89: {  	s3 =	sld [smem:$0x3FFE];
	_ =	sdelay $0x1  }
0x8a: {  	s1 =	srdreg.scid  }
0x8b: {  	s0 =	sand.u32 $0x1, s1  }
0x8c: {  	s16 =	sshll.u32 s0, $0xA;
	s2 =	sadd.s32 s3, s2  }
0x8d: {  	s2 =	sadd.s32 s2, s16  }
0x8e: {  	[smem:$0x3FB9] =	sst s2  }
0x8f: {  	_ = 	snop  }
0x90: {  	(tm) =	ssettm $0x1  }
0x91: {  	s17 =	sld [smem:$0x3FFB];
	_ =	sdelay $0x3  }
0x92: {  	_ =	strace s17  }
0x93: {  	s2 =	sld [smem:$0x3FFC];
	_ =	sdelay $0x3  }
0x94: {  	_ =	strace s2  }
0x95: {  	s2 =	sld [smem:$0x3FFD];
	_ =	sdelay $0x3  }
0x96: {  	_ =	strace s2  }
0x97: {  	_ =	strace $0x8FFFFFFF  }
0x98: {  	s18 =	sld [smem:$0x3FDB];
	_ =	sdelay $0x1  }
0x99: {  	s19 =	simm.s32 $_scs_section_size  }
0x9a: {  	s4 =	simm.s32 $_size__tile_overlayer_lowered;
	s5 =	simm.s32 $_tile_overlayer_lowered  }
0x9b: {  	s22 =	simm.s32 $0x1BFF;
	s21 =	sshll.u32 s5, $0x1;
	s2 =	sadd.s32 s19, s18  }
0x9c: {  	s6 =	simm.s32 $0x0;
	s20 =	sshll.u32 s4, $0x1;
	s4 =	sadd.s32 s21, s2  }
0x9d: {  	[timem:s6], [sflag:s22] =	dma.local [hbm:s4], s20  }
0x9e: {  	_ =	swait.ge [sflag:s22], s20  }
0x9f: {  	s3 =	ssub.s32 $0x0, s20;
	[sflag:s22] =	ssyncset.done $0x0  }
0xa0: {  	[sflag:s22] =	ssyncadd.s32 s3;
	_ =	sdelay $0x1  }
0xa1: {  	s23 =	simm.s32 $0x1B8B  }
0xa2: {  	_ =	swait.ge [sflag:s23], $0x1  }
0xa3: {  	[sflag:s23] =	ssyncset.done $0x0  }
0xa4: {  	s25 =	simm.s32 $0x1B8E;
	s24 =	sld [smem:$0x3FFE];
	[sflag:s23] =	ssyncadd.s32 $0xFFFFFFFF  }
0xa5: {  	s26 =	simm.s32 $execute0_lowered;
	[smem:$0x3FD2] =	sst s25  }
0xa6: {  	s4 =	sshll.u32 s26, $0x1;
	_ =	strace $0x80000049;
	[dreg:$0x1] =	wrdreg $0xFFFFFFFF  }
0xa7: {  	s28 =	simm.s32 $_size_execute0_lowered;
	s2 =	sadd.s32 s2, s4;
	[dreg:$0x0] =	wrdreg $0x0  }
0xa8: {  	s4 =	sshll.u32 s28, $0x1;
	[dreg:$0x2] =	wrdreg s2  }
0xa9: {  	[dreg:$0x3] =	wrdreg s4  }
0xaa: {  	[dreg:$0x4] =	wrdreg $0xC0  }
0xab: {  	_ =	task [dreg:s6], $0x5FFFF  }
0xac: {  	[dreg:$0x1] =	wrdreg $0xFFFFFFFF  }
0xad: {  	[dreg:$0x0] =	wrdreg $0x60  }
0xae: {  	[dreg:$0x2] =	wrdreg s24  }
0xaf: {  	[dreg:$0x3] =	wrdreg $0x9F000  }
0xb0: {  	[dreg:$0x4] =	wrdreg $0x9  }
0xb1: {  	_ =	task.clear_ibuf [dreg:s6], $0x5FFFF;
	_ =	strace $0x90000049  }
0xb2: {  	s29 =	simm.s32 $0x9;
	_ =	strace $0x8000004B  }
0xb3: {  	_ =	swait.ge [sflag:s29], $0x1  }
0xb4: {  	[sflag:s29] =	ssyncadd.s32 $0xFFFFFFFF  }
0xb5: {  	_ =	strace $0x9000004B  }
0xb6: {  	_ =	sfence  }
0xb7: {  	s30 =	sld [smem:$0x0];
	_ =	sdelay $0x2  }
0xb8: {  	s31 =	sshll.u32 s1, $0xD;
	s1 =	sshrl.u32 s1, $0x2  }
0xb9: {  	s3 =	sand.u32 $0x4000, s31;
	s1 =	sadd.s32 s1, s30  }
0xba: {  	s0 =	sor.u32 s3, s0;
	s1 =	sshll.u32 s1, $0x11  }
0xbb: {  	s0 =	sor.u32 s1, s0  }
0xbc: {  	s0 =	sadd.s32 $0x8F2B, s0  }
0xbd: {  	[sflag:s0] =	ssyncadd.remote.s32 $0x1  }
0xbe: {  	_ =	sfence.sel $0xFFFF  }
0xbf: {  	[dreg:$0x0] =	wrdreg $0xFFFFFFFF;
	(pc) =	sbr.abs _section_cstart, $3  }
0xc0: {  	[dreg:$0x1] =	wrdreg $0xFFFFFFFF  }
0xc1: {  	_ =	task.clear_ibuf [dreg:s6], $0x2FFFF;
	_ =	strace $0x9FFFFFFF  }
0xc2: {  	(tm) =	ssettm $0x7FFFFFFF  }
0xc3: {  	_ =	shalt  }
tec
execute0_lowered:
.L_overlay_start_1:
0x0: {  	(tag) =	ssettag $0x1  }
0x1: {  	s6 =	rddreg [dreg:$0x0]  }
0x2: {  	s0 =	srdreg.scid;
	s2 =	rddreg [dreg:$0x1]  }
0x3: {  	s3 =	simm.s32 $0x0;
	s12 =	simm.s32 $0x7780;
	s15 =	simm.s32 $0x50  }
0x4: {  	s16 =	simm.s32 $0x2800;
	s17 =	simm.s32 $0x1;
	s18 =	simm.s32 $0x2  }
0x5: {  	s19 =	simm.s32 $0x3;
	s20 =	simm.s32 $0x4;
	s21 =	simm.s32 $0x76C0  }
0x6: {  	s22 =	simm.s32 $0x9E40;
	s5 =	sand.u32 $0x1, s0;
	s0 =	stileid.u32  }
0x7: {  	s23 =	simm.s32 $0x0;
	[smem:$0x7FF] =	sst s3;
	s8 =	smul.u32 $0x13C000, s5  }
0x8: {  	s4 =	sadd.s32 $0x1B000, s6;
	s1 =	sshll.u32 s5, $0x4;
	s9 =	smul.u32 $0x13C00, s0  }
0x9: {  	s30 =	ssub.s32 $0x2, s5;
	s11 =	smul.u32 $0x4E200, s0;
	s5 =	sadd.s32 $0x18800, s6  }
0xa: {  	s13 =	sshll.u32 s0, $0x6;
	s1 =	sor.u32 s0, s1;
	s10 =	sshrl.u32 s30, $0x1  }
0xb: {  	s13 =	sor.u32 $0x1C05, s13;
	s7 =	smul.u32 $0x4E2, s1;
	s1 =	rddreg [dreg:$0x2]  }
0xc: {  	_ =	strace $0x8000004A;
	s8 =	sadd.s32 s9, s8;
	s9 =	ssub.s32 s30, s10  }
0xd: {  	s31 =	sshrl.u32 s11, $0x2;
	s10 =	simm.s32 $0x5000;
	s11 =	simm.s32 $0x5  }
0xe: {  	s8 =	sshrl.u32 s8, $0x3;
	s14 =	sadd.s32 s31, s2;
	s9 =	smax.u32 s9, $0x1  }
0xf: {  	s7 =	sadd.s32 s7, s6;
	s8 =	sadd.s32 s8, s6;
	s14 =	sshrl.u32 s14, $0x3  }
0x10: {  	s6 =	sadd.s32 $0x4C00, s7;
	s7 =	sadd.s32 $0xEA00, s7;
	s8 =	sadd.s32 $0x42200, s8  }
.LBB2_1:
0x11: {  	[tilespmem:s10], [sflag:$0x5] =	stream.linear.gather [hbm4b:s6+s3], $0x2710, $0x38;
	[tilespmem:$0x1D780] =	vst v63  }
0x12: {  	_ =	swait.ge [sflag:s11], $0x2710  }
0x13: {  	[sflag:s11] =	ssyncset.done $0x0  }
0x14: {  	[sflag:s11] =	ssyncadd.s32 $0xFFFFD8F0  }
0x15: {  	[tilespmem:s12], [sflag:$0x5] =	stream.linear.gather [hbm4b:s7+s3], $0x2710, $0x38;
	[tilespmem:$0x1D780] =	vst v63  }
0x16: {  	_ =	swait.ge [sflag:s11], $0x2710  }
0x17: {  	[sflag:s11] =	ssyncset.done $0x0  }
0x18: {  	[sflag:s11] =	ssyncadd.s32 $0xFFFFD8F0  }
0x19: {  	[spmem:s14], [sflag:s13] =	dma.local [hbm:s5], $0x2710  }
0x1a: {  	_ =	swait.ge [sflag:s11], $0x2710  }
0x1b: {  	[sflag:s11] =	ssyncset.done $0x0  }
0x1c: {  	[sflag:s11] =	ssyncadd.s32 $0xFFFFD8F0  }
0x1d: {  	s24 =	simm.s32 $0x5000;
	[bflag:$0x0] =	sbarrier.arrive $0xFFFF  }
0x1e: {  	[tilespmem:s3], [sflag:$0x1] =	stream.indirect.gather [hbm4b:s4+s15], $0x80, s24, s15, $0xb8;
	[tilespmem:$0x1D780] =	vst v63  }
0x1f: {  	s29 =	simm.s32 $0x5050  }
0x20: {  	[tilespmem:s16], [sflag:$0x2] =	stream.indirect.gather [hbm4b:s4+s15], $0x80, s29, s15, $0xb8;
	[tilespmem:$0x1D780] =	vst v63  }
0x21: {  	_ =	swait.ge [sflag:s17], $0x2800  }
0x22: {  	[sflag:s17] =	ssyncset.done $0x0  }
0x23: {  	s30 =	simm.s32 $0x7780;
	[sflag:s17] =	ssyncadd.s32 $0xFFFFD800  }
0x24: {  	[spmem:s2] =	stream.indirect.scatter.add.f32 [tilespmem:s3], [sflag:$0x3], $0x80, s30, s15, $0xb8;
	[tilespmem:$0x1D780] =	vst v63  }
0x25: {  	_ =	swait.ge [sflag:s18], $0x2800  }
0x26: {  	[sflag:s18] =	ssyncset.done $0x0  }
0x27: {  	s31 =	simm.s32 $0x77D0;
	[sflag:s18] =	ssyncadd.s32 $0xFFFFD800  }
0x28: {  	[spmem:s2] =	stream.indirect.scatter.add.f32 [tilespmem:s16], [sflag:$0x4], $0x80, s31, s15, $0xb8;
	[tilespmem:$0x1D780] =	vst v63  }
0x29: {  	_ =	swait.ge [sflag:s19], $0x2800  }
0x2a: {  	[sflag:s19] =	ssyncset.done $0x0  }
0x2b: {  	[sflag:s19] =	ssyncadd.s32 $0xFFFFD800  }
0x2c: {  	_ =	swait.ge [sflag:s20], $0x2800  }
0x2d: {  	s25 =	simm.s32 $0x500;
	s24 =	simm.s32 $0xA0;
	[sflag:s20] =	ssyncset.done $0x0  }
.LBB2_2:
0x2e: {  	s26 =	sadd.s32 $0x5000, s24  }
0x2f: {  	[sflag:s20] =	ssyncadd.s32 $0xFFFFD800;
	s28 =	smov.u32 s25;
	s29 =	sadd.s32 $0x280, s25  }
0x30: {  	[tilespmem:s3], [sflag:$0x1] =	stream.indirect.gather [hbm4b:s4+s15], $0x80, s26, s15, $0xb8;
	[tilespmem:$0x1D780] =	vst v63  }
0x31: {  	p0 =	sne.s32 s25, $0x9880;
	s25 =	sadd.s32 $0x5050, s24  }
0x32: {  	[tilespmem:s16], [sflag:$0x2] =	stream.indirect.gather [hbm4b:s4+s15], $0x80, s25, s15, $0xb8;
	[tilespmem:$0x1D780] =	vst v63  }
0x33: {  	_ =	swait.ge [sflag:s17], $0x2800  }
0x34: {  	[sflag:s17] =	ssyncset.done $0x0  }
0x35: {  	s25 =	sadd.s32 $0x7780, s24;
	[sflag:s17] =	ssyncadd.s32 $0xFFFFD800  }
0x36: {  	[spmem:s2] =	stream.indirect.scatter.add.f32 [tilespmem:s3], [sflag:$0x3], $0x80, s25, s15, $0xb8;
	[tilespmem:$0x1D780] =	vst v63  }
0x37: {  	_ =	swait.ge [sflag:s18], $0x2800  }
0x38: {  	[sflag:s18] =	ssyncset.done $0x0  }
0x39: {  	s24 =	sadd.s32 $0x77D0, s24;
	[sflag:s18] =	ssyncadd.s32 $0xFFFFD800  }
0x3a: {  	[spmem:s2] =	stream.indirect.scatter.add.f32 [tilespmem:s16], [sflag:$0x4], $0x80, s24, s15, $0xb8;
	[tilespmem:$0x1D780] =	vst v63  }
.Ltmp0:
0x3b: {  	_ =	swait.ge [sflag:s19], $0x2800;
	(pc) =	sbr.rel @p0 .LBB2_2-.Ltmp0, $4  }
0x3c: {  	[sflag:s19] =	ssyncset.done $0x0  }
0x3d: {  	[sflag:s19] =	ssyncadd.s32 $0xFFFFD800  }
0x3e: {  	_ =	swait.ge [sflag:s20], $0x2800  }
0x3f: {  	s25 =	smov.u32 s29;
	s24 =	sshra.s32 s28, $0x2;
	[sflag:s20] =	ssyncset.done $0x0  }
0x40: {  	s25 =	sadd.s32 $0x5000, s24;
	[sflag:s20] =	ssyncadd.s32 $0xFFFFD800  }
0x41: {  	[tilespmem:s3], [sflag:$0x1] =	stream.indirect.gather [hbm4b:s4+s15], $0x80, s25, s15, $0xb8;
	[tilespmem:$0x1D780] =	vst v63  }
0x42: {  	s29 =	sadd.s32 $0x5050, s24  }
0x43: {  	[tilespmem:s16], [sflag:$0x2] =	stream.indirect.gather [hbm4b:s4+s15], $0x80, s29, s15, $0xb8;
	[tilespmem:$0x1D780] =	vst v63  }
0x44: {  	_ =	swait.ge [sflag:s17], $0x2800  }
0x45: {  	[sflag:s17] =	ssyncset.done $0x0  }
0x46: {  	s30 =	sadd.s32 $0x7780, s24;
	[sflag:s17] =	ssyncadd.s32 $0xFFFFD800  }
0x47: {  	[spmem:s2] =	stream.indirect.scatter.add.f32 [tilespmem:s3], [sflag:$0x3], $0x80, s30, s15, $0xb8;
	[tilespmem:$0x1D780] =	vst v63  }
0x48: {  	_ =	swait.ge [sflag:s18], $0x2800  }
0x49: {  	[sflag:s18] =	ssyncset.done $0x0  }
0x4a: {  	s31 =	sadd.s32 $0x77D0, s24;
	[sflag:s18] =	ssyncadd.s32 $0xFFFFD800  }
0x4b: {  	[spmem:s2] =	stream.indirect.scatter.add.f32 [tilespmem:s16], [sflag:$0x4], $0x80, s31, s15, $0xb8;
	[tilespmem:$0x1D780] =	vst v63  }
0x4c: {  	_ =	swait.ge [sflag:s19], $0x2800  }
0x4d: {  	[sflag:s19] =	ssyncset.done $0x0  }
0x4e: {  	[sflag:s19] =	ssyncadd.s32 $0xFFFFD800  }
0x4f: {  	_ =	swait.ge [sflag:s20], $0x2800  }
0x50: {  	[sflag:s20] =	ssyncset.done $0x0  }
0x51: {  	[sflag:s20] =	ssyncadd.s32 $0xFFFFD800  }
0x52: {  	[tilespmem:s3], [sflag:$0x1] =	stream.indirect.gather [hbm4b:s4+s15], $0x80, s21, s15, $0xb8;
	[tilespmem:$0x1D780] =	vst v63  }
0x53: {  	_ =	swait.ge [sflag:s17], $0x2800  }
0x54: {  	[sflag:s17] =	ssyncset.done $0x0  }
0x55: {  	[sflag:s17] =	ssyncadd.s32 $0xFFFFD800  }
0x56: {  	[spmem:s2] =	stream.indirect.scatter.add.f32 [tilespmem:s3], [sflag:$0x3], $0x80, s22, s15, $0xb8;
	[tilespmem:$0x1D780] =	vst v63  }
0x57: {  	_ =	swait.ge [sflag:s19], $0x2800  }
0x58: {  	s23 =	sadd.s32 $0x1, s23;
	[sflag:s19] =	ssyncset.done $0x0  }
0x59: {  	p0 =	sne.s32 s23, s9;
	[sflag:s19] =	ssyncadd.s32 $0xFFFFD800  }
.Ltmp1:
0x5a: {  	[bflag:$0x0] =	sbarrier.arrive $0xFFFF;
	(pc) =	sbr.rel @p0 .LBB2_1-.Ltmp1, $4  }
0x5b: {  	[hbm:s8], [sflag:s13] =	dma.local [spmem:s14], $0x2710  }
0x5c: {  	_ =	swait.ge [sflag:s11], $0x2710  }
0x5d: {  	[sflag:s11] =	ssyncset.done $0x0  }
0x5e: {  	[sflag:s11] =	ssyncadd.s32 $0xFFFFD8F0  }
0x5f: {  	_ =	sfence.sel $0x180000  }
0x60: {  	[bflag:$0x0] =	sbarrier.arrive $0xFFFF  }
0x61: {  	p0 =	sne.s32 s0, $0x0;
	_ =	strace $0x9000004A  }
0x62: {  	s0 =	sadd.s32 @!p0 $0x100000, s1;
	[bflag:$0x2] =	sbarrier.arrive $0xFFFF  }
0x63: {  	[sflag:s0] =	ssyncadd.tile.s32 @!p0 $0x1;
	_ =	shalt  }
.Lfunc_end2:
_tile_overlayer_lowered:
.L_overlay_start_2:
0x64: {  	(tag) =	ssettag $0x2  }
0x65: {  	s0 =	rddreg [dreg:$0x0];
	s2 =	stileid.u32  }
0x66: {  	s1 =	rddreg [dreg:$0x1];
	p0 =	sne.s32 s2, $0x0  }
0x67: {  	s3 =	rddreg [dreg:$0x2];
	[bflag:$0x3] =	sbarrier.arrive $0xFFFF;
	s2 =	simm.s32 @!p0 $0x1C05  }
0x68: {  	[timem:s3], [sflag:s2] =	dma.local @!p0 [hbm:s0], s1  }
0x69: {  	s0 =	simm.s32 @!p0 $0x5  }
0x6a: {  	_ =	swait.ge @!p0 [sflag:s0], s1  }
0x6b: {  	s1 =	ssub.s32 @!p0 $0x0, s1;
	[sflag:s0] =	ssyncset.done @!p0 $0x0  }
0x6c: {  	[sflag:s0] =	ssyncadd.s32 @!p0 s1  }
0x6d: {  	[bflag:$0x3] =	sbarrier.arrive $0xFFFF  }
0x6e: {  	_ =	shalt  }

// kernel: kernel.17.cloned.1.call-start
scs
__scs_entry_jumppad:
0x0: {  	(pc) =	sbr.rel $0x88, $3  }
0x1: {  	(tag) =	ssettag $0x0;
	lr =	simm.s32 $0x1  }
0x2: {  	[smem:$0x3F92] =	sst lr;
	_ =	strace $0xD0000000  }
0x3: {  	_ = 	snop  }
0x4: {  	_ = 	snop  }
0x5: {  	_ = 	snop  }
0x6: {  	_ = 	snop  }
0x7: {  	_ = 	snop  }
__scs_overlays_trampoline_lowered:
0x8: {  	[smem:$0x3FA1] =	sst s0  }
0x9: {  	[smem:$0x3FA2] =	sst s1  }
0xa: {  	[smem:$0x3FA3] =	sst s2  }
0xb: {  	[smem:$0x3FA4] =	sst s3  }
0xc: {  	[smem:$0x3FA5] =	sst s4  }
0xd: {  	[smem:$0x3FA6] =	sst s5  }
0xe: {  	[smem:$0x3FA7] =	sst s6  }
0xf: {  	[smem:$0x3FA8] =	sst s7  }
0x10: {  	[smem:$0x3FA9] =	sst s8  }
0x11: {  	[smem:$0x3FAA] =	sst s9;
	s0 =	simm.s32 @!p0 $0x0  }
0x12: {  	s1 =	sld [smem:$0x3F90];
	s0 =	simm.s32 @p0 $0x1  }
0x13: {  	[smem:$0x3FAB] =	sst s0;
	s0 =	simm.s32 @!p1 $0x0  }
0x14: {  	s2 =	sld [smem:$0x3F8F];
	s0 =	simm.s32 @p1 $0x1  }
0x15: {  	[smem:$0x3FAC] =	sst s0;
	s0 =	simm.s32 @!p2 $0x0  }
0x16: {  	s3 =	sld [smem:$0x3FDB];
	s0 =	simm.s32 @p2 $0x1  }
0x17: {  	s4 =	simm.s32 $0x1BF5;
	[smem:$0x3FAE] =	sst s0  }
0x18: {  	s0 =	sld [smem:$0x3F91];
	_ =	swait.ge [sflag:s4], $0x0  }
0x19: {  	s7 =	sld [smem:$0x3F92]  }
0x1a: {  	s8 =	sadd.s32 $0xFFFFE003, lr  }
0x1b: {  	s9 =	sadd.s32 $0xFFFFFEF7, lr;
	s5 =	simm.s32 $0xFFFFFFFF;
	p2 =	slt.u32 s8, $0xFFFFF086  }
0x1c: {  	p1 =	slt.u32 s9, $0xF7A;
	s5 =	simm.s32 @!p2 $0x0  }
0x1d: {  	s5 =	simm.s32 @p1 $0x1;
	p0 =	seq.s32 s7, s2  }
0x1e: {  	s7 =	smul.u32 @!p0 $0xF7A, s2;
	p2 =	seq.s32 @!p0 s5, $0x0  }
0x1f: {  	s9 =	smul.u32 $0xF7A, s1;
	s8 =	simm.s32 @!p0 $0x1BF5;
	p2 =	por !p2, p0  }
0x20: {  	[sflag:s8] =	ssyncset.s32 @!p0 $0xFFFFF086;
	s6 =	sadd.s32 @!p0 s3, s7;
	s7 =	simm.s32 @!p0 $0x108  }
0x21: {  	s3 =	sadd.s32 s3, s9;
	s6 =	sadd.s32 @!p0 $0x88, s6;
	s7 =	simm.s32 @p2 $0x1082  }
0x22: {  	[simem:s7], [sflag:s8] =	dma.local @!p0 [hbm:s6], $0xF7A  }
0x23: {  	s9 =	sor.u32 $0xD0000000, s2;
	s6 =	simm.s32 $0x108;
	_ =	swait.ge @!p0 [sflag:s8], $0x0  }
0x24: {  	s3 =	sadd.s32 $0x88, s3;
	s6 =	simm.s32 @!p1 $0x1082;
	[sflag:s4] =	ssyncset.s32 $0xFFFFF086  }
0x25: {  	[simem:s6], [sflag:s4] =	dma.local [hbm:s3], $0xF7A  }
0x26: {  	[smem:$0x3F92] =	sst s1;
	(tag) =	ssettag s2;
	_ =	strace s9  }
0x27: {  	s1 =	sld [smem:$0x3FA2]  }
0x28: {  	s2 =	sld [smem:$0x3FA3]  }
0x29: {  	s4 =	sld [smem:$0x3FA5]  }
0x2a: {  	p0 =	seq.s32 s5, $0x0;
	s5 =	sld [smem:$0x3FA6]  }
0x2b: {  	s6 =	sld [smem:$0x3FA7]  }
0x2c: {  	s7 =	sld [smem:$0x3FA8]  }
0x2d: {  	s3 =	simm.s32 $0x108;
	s8 =	sld [smem:$0x3FA9]  }
0x2e: {  	s3 =	simm.s32 @!p0 $0x1082;
	s9 =	sld [smem:$0x3FAA]  }
0x2f: {  	lr =	sadd.s32 s0, s3;
	s0 =	sld [smem:$0x3FA1]  }
0x30: {  	s3 =	sld [smem:$0x3FA4]  }
0x31: {  	[smem:$0x3FAD] =	sst s10  }
0x32: {  	s10 =	sld [smem:$0x3FAB];
	_ =	sdelay $0x3  }
0x33: {  	p0 =	seq.s32 s10, $0x1;
	s10 =	sld [smem:$0x3FAD];
	_ =	sdelay $0x3  }
0x34: {  	[smem:$0x3FAD] =	sst s10  }
0x35: {  	s10 =	sld [smem:$0x3FAC];
	_ =	sdelay $0x3  }
0x36: {  	p1 =	seq.s32 s10, $0x1;
	s10 =	sld [smem:$0x3FAD];
	_ =	sdelay $0x3  }
0x37: {  	[smem:$0x3FAD] =	sst s10  }
0x38: {  	s10 =	sld [smem:$0x3FAE]  }
0x39: {  	_ = 	snop;
	(pc) =	sbr.ind lr, $3  }
0x3a: {  	_ = 	snop  }
0x3b: {  	_ = 	snop  }
0x3c: {  	p2 =	seq.s32 s10, $0x1;
	s10 =	sld [smem:$0x3FAD]  }
0x3d: {  	_ =	shalt  }
0x3e: {  	_ =	shalt  }
0x3f: {  	_ =	shalt  }
0x40: {  	_ =	shalt  }
0x41: {  	_ =	shalt  }
0x42: {  	_ =	shalt  }
0x43: {  	_ =	shalt  }
0x44: {  	_ =	shalt  }
0x45: {  	_ =	shalt  }
0x46: {  	_ =	shalt  }
0x47: {  	_ =	shalt  }
0x48: {  	_ =	shalt  }
0x49: {  	_ =	shalt  }
0x4a: {  	_ =	shalt  }
0x4b: {  	_ =	shalt  }
0x4c: {  	_ =	shalt  }
0x4d: {  	_ =	shalt  }
0x4e: {  	_ =	shalt  }
0x4f: {  	_ =	shalt  }
0x50: {  	_ =	shalt  }
0x51: {  	_ =	shalt  }
0x52: {  	_ =	shalt  }
0x53: {  	_ =	shalt  }
0x54: {  	_ =	shalt  }
0x55: {  	_ =	shalt  }
0x56: {  	_ =	shalt  }
0x57: {  	_ =	shalt  }
0x58: {  	_ =	shalt  }
0x59: {  	_ =	shalt  }
0x5a: {  	_ =	shalt  }
0x5b: {  	_ =	shalt  }
0x5c: {  	_ =	shalt  }
0x5d: {  	_ =	shalt  }
0x5e: {  	_ =	shalt  }
0x5f: {  	_ =	shalt  }
0x60: {  	_ =	shalt  }
0x61: {  	_ =	shalt  }
0x62: {  	_ =	shalt  }
0x63: {  	_ =	shalt  }
0x64: {  	_ =	shalt  }
0x65: {  	_ =	shalt  }
0x66: {  	_ =	shalt  }
0x67: {  	_ =	shalt  }
0x68: {  	_ =	shalt  }
0x69: {  	_ =	shalt  }
0x6a: {  	_ =	shalt  }
0x6b: {  	_ =	shalt  }
0x6c: {  	_ =	shalt  }
0x6d: {  	_ =	shalt  }
0x6e: {  	_ =	shalt  }
0x6f: {  	_ =	shalt  }
0x70: {  	_ =	shalt  }
0x71: {  	_ =	shalt  }
0x72: {  	_ =	shalt  }
0x73: {  	_ =	shalt  }
0x74: {  	_ =	shalt  }
0x75: {  	_ =	shalt  }
0x76: {  	_ =	shalt  }
0x77: {  	_ =	shalt  }
0x78: {  	_ =	shalt  }
0x79: {  	_ =	shalt  }
0x7a: {  	_ =	shalt  }
0x7b: {  	_ =	shalt  }
0x7c: {  	_ =	shalt  }
0x7d: {  	_ =	shalt  }
0x7e: {  	_ =	shalt  }
0x7f: {  	_ =	shalt  }
0x80: {  	_ =	shalt  }
0x81: {  	_ =	shalt  }
0x82: {  	_ =	shalt  }
0x83: {  	_ =	shalt  }
0x84: {  	_ =	shalt  }
0x85: {  	_ =	shalt  }
0x86: {  	_ =	shalt  }
0x87: {  	_ =	shalt  }
.Lfunc_end0:
.L_simem_size_0:
called_computation.2_lowered:
.L_overlay_start_0:
0x88: {  	s2 =	sld [smem:$0x3FD9]  }
0x89: {  	s3 =	sld [smem:$0x3FFE];
	_ =	sdelay $0x1  }
0x8a: {  	s1 =	srdreg.scid  }
0x8b: {  	s0 =	sand.u32 $0x1, s1  }
0x8c: {  	s16 =	sshll.u32 s0, $0xA;
	s2 =	sadd.s32 s3, s2  }
0x8d: {  	s2 =	sadd.s32 s2, s16  }
0x8e: {  	[smem:$0x3FB9] =	sst s2  }
0x8f: {  	_ = 	snop  }
0x90: {  	(tm) =	ssettm $0x1  }
0x91: {  	s17 =	sld [smem:$0x3FFB];
	_ =	sdelay $0x3  }
0x92: {  	_ =	strace s17  }
0x93: {  	s2 =	sld [smem:$0x3FFC];
	_ =	sdelay $0x3  }
0x94: {  	_ =	strace s2  }
0x95: {  	s2 =	sld [smem:$0x3FFD];
	_ =	sdelay $0x3  }
0x96: {  	_ =	strace s2  }
0x97: {  	_ =	strace $0x8FFFFFFF  }
0x98: {  	s18 =	sld [smem:$0x3FDB];
	_ =	sdelay $0x1  }
0x99: {  	s19 =	simm.s32 $_scs_section_size  }
0x9a: {  	s4 =	simm.s32 $_size__tile_overlayer_lowered;
	s5 =	simm.s32 $_tile_overlayer_lowered  }
0x9b: {  	s22 =	simm.s32 $0x1BFF;
	s21 =	sshll.u32 s5, $0x1;
	s2 =	sadd.s32 s19, s18  }
0x9c: {  	s6 =	simm.s32 $0x0;
	s20 =	sshll.u32 s4, $0x1;
	s4 =	sadd.s32 s21, s2  }
0x9d: {  	[timem:s6], [sflag:s22] =	dma.local [hbm:s4], s20  }
0x9e: {  	_ =	swait.ge [sflag:s22], s20  }
0x9f: {  	s3 =	ssub.s32 $0x0, s20;
	[sflag:s22] =	ssyncset.done $0x0  }
0xa0: {  	[sflag:s22] =	ssyncadd.s32 s3;
	_ =	sdelay $0x1  }
0xa1: {  	s23 =	simm.s32 $0x1B8B  }
0xa2: {  	_ =	swait.ge [sflag:s23], $0x1  }
0xa3: {  	[sflag:s23] =	ssyncset.done $0x0  }
0xa4: {  	s25 =	simm.s32 $0x1B8E;
	s24 =	sld [smem:$0x3FFE];
	[sflag:s23] =	ssyncadd.s32 $0xFFFFFFFF  }
0xa5: {  	s26 =	simm.s32 $execute0_lowered;
	[smem:$0x3FD2] =	sst s25  }
0xa6: {  	s4 =	sshll.u32 s26, $0x1;
	_ =	strace $0x8000004C;
	[dreg:$0x1] =	wrdreg $0xFFFFFFFF  }
0xa7: {  	s28 =	simm.s32 $_size_execute0_lowered;
	s2 =	sadd.s32 s2, s4;
	[dreg:$0x0] =	wrdreg $0x0  }
0xa8: {  	s4 =	sshll.u32 s28, $0x1;
	[dreg:$0x2] =	wrdreg s2  }
0xa9: {  	[dreg:$0x3] =	wrdreg s4  }
0xaa: {  	[dreg:$0x4] =	wrdreg $0xC0  }
0xab: {  	_ =	task [dreg:s6], $0x5FFFF  }
0xac: {  	[dreg:$0x1] =	wrdreg $0xFFFFFFFF  }
0xad: {  	[dreg:$0x0] =	wrdreg $0x60  }
0xae: {  	[dreg:$0x2] =	wrdreg s24  }
0xaf: {  	[dreg:$0x3] =	wrdreg $0x9F000  }
0xb0: {  	[dreg:$0x4] =	wrdreg $0x9  }
0xb1: {  	_ =	task.clear_ibuf [dreg:s6], $0x5FFFF;
	_ =	strace $0x9000004C  }
0xb2: {  	s29 =	simm.s32 $0x9;
	_ =	strace $0x8000004E  }
0xb3: {  	_ =	swait.ge [sflag:s29], $0x1  }
0xb4: {  	[sflag:s29] =	ssyncadd.s32 $0xFFFFFFFF  }
0xb5: {  	_ =	strace $0x9000004E  }
0xb6: {  	_ =	sfence  }
0xb7: {  	s30 =	sld [smem:$0x0];
	_ =	sdelay $0x2  }
0xb8: {  	s31 =	sshll.u32 s1, $0xD;
	s1 =	sshrl.u32 s1, $0x2  }
0xb9: {  	s3 =	sand.u32 $0x4000, s31;
	s1 =	sadd.s32 s1, s30  }
0xba: {  	s0 =	sor.u32 s3, s0;
	s1 =	sshll.u32 s1, $0x11  }
0xbb: {  	s0 =	sor.u32 s1, s0  }
0xbc: {  	s0 =	sadd.s32 $0x8F2B, s0  }
0xbd: {  	[sflag:s0] =	ssyncadd.remote.s32 $0x1  }
0xbe: {  	_ =	sfence.sel $0xFFFF  }
0xbf: {  	[dreg:$0x0] =	wrdreg $0xFFFFFFFF;
	(pc) =	sbr.abs _section_cstart, $3  }
0xc0: {  	[dreg:$0x1] =	wrdreg $0xFFFFFFFF  }
0xc1: {  	_ =	task.clear_ibuf [dreg:s6], $0x2FFFF;
	_ =	strace $0x9FFFFFFF  }
0xc2: {  	(tm) =	ssettm $0x7FFFFFFF  }
0xc3: {  	_ =	shalt  }
tec
execute0_lowered:
.L_overlay_start_1:
0x0: {  	(tag) =	ssettag $0x1  }
0x1: {  	s6 =	rddreg [dreg:$0x0]  }
0x2: {  	s0 =	srdreg.scid;
	s2 =	rddreg [dreg:$0x1]  }
0x3: {  	s3 =	simm.s32 $0x0;
	s12 =	simm.s32 $0x7780;
	s15 =	simm.s32 $0x50  }
0x4: {  	s16 =	simm.s32 $0x2800;
	s17 =	simm.s32 $0x1;
	s18 =	simm.s32 $0x2  }
0x5: {  	s19 =	simm.s32 $0x3;
	s20 =	simm.s32 $0x4;
	s21 =	simm.s32 $0x76C0  }
0x6: {  	s22 =	simm.s32 $0x9E40;
	s5 =	sand.u32 $0x1, s0;
	s0 =	stileid.u32  }
0x7: {  	s23 =	simm.s32 $0x0;
	[smem:$0x7FF] =	sst s3;
	s8 =	smul.u32 $0x13C000, s5  }
0x8: {  	s4 =	sadd.s32 $0x1B000, s6;
	s1 =	sshll.u32 s5, $0x4;
	s9 =	smul.u32 $0x13C00, s0  }
0x9: {  	s30 =	ssub.s32 $0x2, s5;
	s11 =	smul.u32 $0x4E200, s0;
	s5 =	sadd.s32 $0x18800, s6  }
0xa: {  	s13 =	sshll.u32 s0, $0x6;
	s1 =	sor.u32 s0, s1;
	s10 =	sshrl.u32 s30, $0x1  }
0xb: {  	s13 =	sor.u32 $0x1C05, s13;
	s7 =	smul.u32 $0x4E2, s1;
	s1 =	rddreg [dreg:$0x2]  }
0xc: {  	_ =	strace $0x8000004D;
	s8 =	sadd.s32 s9, s8;
	s9 =	ssub.s32 s30, s10  }
0xd: {  	s31 =	sshrl.u32 s11, $0x2;
	s10 =	simm.s32 $0x5000;
	s11 =	simm.s32 $0x5  }
0xe: {  	s8 =	sshrl.u32 s8, $0x3;
	s14 =	sadd.s32 s31, s2;
	s9 =	smax.u32 s9, $0x1  }
0xf: {  	s7 =	sadd.s32 s7, s6;
	s8 =	sadd.s32 s8, s6;
	s14 =	sshrl.u32 s14, $0x3  }
0x10: {  	s6 =	sadd.s32 $0x4C00, s7;
	s7 =	sadd.s32 $0xEA00, s7;
	s8 =	sadd.s32 $0x42200, s8  }
.LBB2_1:
0x11: {  	[tilespmem:s10], [sflag:$0x5] =	stream.linear.gather [hbm4b:s6+s3], $0x2710, $0x38;
	[tilespmem:$0x1D780] =	vst v63  }
0x12: {  	_ =	swait.ge [sflag:s11], $0x2710  }
0x13: {  	[sflag:s11] =	ssyncset.done $0x0  }
0x14: {  	[sflag:s11] =	ssyncadd.s32 $0xFFFFD8F0  }
0x15: {  	[tilespmem:s12], [sflag:$0x5] =	stream.linear.gather [hbm4b:s7+s3], $0x2710, $0x38;
	[tilespmem:$0x1D780] =	vst v63  }
0x16: {  	_ =	swait.ge [sflag:s11], $0x2710  }
0x17: {  	[sflag:s11] =	ssyncset.done $0x0  }
0x18: {  	[sflag:s11] =	ssyncadd.s32 $0xFFFFD8F0  }
0x19: {  	[spmem:s14], [sflag:s13] =	dma.local [hbm:s5], $0x2710  }
0x1a: {  	_ =	swait.ge [sflag:s11], $0x2710  }
0x1b: {  	[sflag:s11] =	ssyncset.done $0x0  }
0x1c: {  	[sflag:s11] =	ssyncadd.s32 $0xFFFFD8F0  }
0x1d: {  	s24 =	simm.s32 $0x5000;
	[bflag:$0x0] =	sbarrier.arrive $0xFFFF  }
0x1e: {  	[tilespmem:s3], [sflag:$0x1] =	stream.indirect.gather [hbm4b:s4+s15], $0x80, s24, s15, $0xb8;
	[tilespmem:$0x1D780] =	vst v63  }
0x1f: {  	s29 =	simm.s32 $0x5050  }
0x20: {  	[tilespmem:s16], [sflag:$0x2] =	stream.indirect.gather [hbm4b:s4+s15], $0x80, s29, s15, $0xb8;
	[tilespmem:$0x1D780] =	vst v63  }
0x21: {  	_ =	swait.ge [sflag:s17], $0x2800  }
0x22: {  	[sflag:s17] =	ssyncset.done $0x0  }
0x23: {  	s30 =	simm.s32 $0x7780;
	[sflag:s17] =	ssyncadd.s32 $0xFFFFD800  }
0x24: {  	[spmem:s2] =	stream.indirect.scatter.add.f32 [tilespmem:s3], [sflag:$0x3], $0x80, s30, s15, $0xb8;
	[tilespmem:$0x1D780] =	vst v63  }
0x25: {  	_ =	swait.ge [sflag:s18], $0x2800  }
0x26: {  	[sflag:s18] =	ssyncset.done $0x0  }
0x27: {  	s31 =	simm.s32 $0x77D0;
	[sflag:s18] =	ssyncadd.s32 $0xFFFFD800  }
0x28: {  	[spmem:s2] =	stream.indirect.scatter.add.f32 [tilespmem:s16], [sflag:$0x4], $0x80, s31, s15, $0xb8;
	[tilespmem:$0x1D780] =	vst v63  }
0x29: {  	_ =	swait.ge [sflag:s19], $0x2800  }
0x2a: {  	[sflag:s19] =	ssyncset.done $0x0  }
0x2b: {  	[sflag:s19] =	ssyncadd.s32 $0xFFFFD800  }
0x2c: {  	_ =	swait.ge [sflag:s20], $0x2800  }
0x2d: {  	s25 =	simm.s32 $0x500;
	s24 =	simm.s32 $0xA0;
	[sflag:s20] =	ssyncset.done $0x0  }
.LBB2_2:
0x2e: {  	s26 =	sadd.s32 $0x5000, s24  }
0x2f: {  	[sflag:s20] =	ssyncadd.s32 $0xFFFFD800;
	s28 =	smov.u32 s25;
	s29 =	sadd.s32 $0x280, s25  }
0x30: {  	[tilespmem:s3], [sflag:$0x1] =	stream.indirect.gather [hbm4b:s4+s15], $0x80, s26, s15, $0xb8;
	[tilespmem:$0x1D780] =	vst v63  }
0x31: {  	p0 =	sne.s32 s25, $0x9880;
	s25 =	sadd.s32 $0x5050, s24  }
0x32: {  	[tilespmem:s16], [sflag:$0x2] =	stream.indirect.gather [hbm4b:s4+s15], $0x80, s25, s15, $0xb8;
	[tilespmem:$0x1D780] =	vst v63  }
0x33: {  	_ =	swait.ge [sflag:s17], $0x2800  }
0x34: {  	[sflag:s17] =	ssyncset.done $0x0  }
0x35: {  	s25 =	sadd.s32 $0x7780, s24;
	[sflag:s17] =	ssyncadd.s32 $0xFFFFD800  }
0x36: {  	[spmem:s2] =	stream.indirect.scatter.add.f32 [tilespmem:s3], [sflag:$0x3], $0x80, s25, s15, $0xb8;
	[tilespmem:$0x1D780] =	vst v63  }
0x37: {  	_ =	swait.ge [sflag:s18], $0x2800  }
0x38: {  	[sflag:s18] =	ssyncset.done $0x0  }
0x39: {  	s24 =	sadd.s32 $0x77D0, s24;
	[sflag:s18] =	ssyncadd.s32 $0xFFFFD800  }
0x3a: {  	[spmem:s2] =	stream.indirect.scatter.add.f32 [tilespmem:s16], [sflag:$0x4], $0x80, s24, s15, $0xb8;
	[tilespmem:$0x1D780] =	vst v63  }
.Ltmp0:
0x3b: {  	_ =	swait.ge [sflag:s19], $0x2800;
	(pc) =	sbr.rel @p0 .LBB2_2-.Ltmp0, $4  }
0x3c: {  	[sflag:s19] =	ssyncset.done $0x0  }
0x3d: {  	[sflag:s19] =	ssyncadd.s32 $0xFFFFD800  }
0x3e: {  	_ =	swait.ge [sflag:s20], $0x2800  }
0x3f: {  	s25 =	smov.u32 s29;
	s24 =	sshra.s32 s28, $0x2;
	[sflag:s20] =	ssyncset.done $0x0  }
0x40: {  	s25 =	sadd.s32 $0x5000, s24;
	[sflag:s20] =	ssyncadd.s32 $0xFFFFD800  }
0x41: {  	[tilespmem:s3], [sflag:$0x1] =	stream.indirect.gather [hbm4b:s4+s15], $0x80, s25, s15, $0xb8;
	[tilespmem:$0x1D780] =	vst v63  }
0x42: {  	s29 =	sadd.s32 $0x5050, s24  }
0x43: {  	[tilespmem:s16], [sflag:$0x2] =	stream.indirect.gather [hbm4b:s4+s15], $0x80, s29, s15, $0xb8;
	[tilespmem:$0x1D780] =	vst v63  }
0x44: {  	_ =	swait.ge [sflag:s17], $0x2800  }
0x45: {  	[sflag:s17] =	ssyncset.done $0x0  }
0x46: {  	s30 =	sadd.s32 $0x7780, s24;
	[sflag:s17] =	ssyncadd.s32 $0xFFFFD800  }
0x47: {  	[spmem:s2] =	stream.indirect.scatter.add.f32 [tilespmem:s3], [sflag:$0x3], $0x80, s30, s15, $0xb8;
	[tilespmem:$0x1D780] =	vst v63  }
0x48: {  	_ =	swait.ge [sflag:s18], $0x2800  }
0x49: {  	[sflag:s18] =	ssyncset.done $0x0  }
0x4a: {  	s31 =	sadd.s32 $0x77D0, s24;
	[sflag:s18] =	ssyncadd.s32 $0xFFFFD800  }
0x4b: {  	[spmem:s2] =	stream.indirect.scatter.add.f32 [tilespmem:s16], [sflag:$0x4], $0x80, s31, s15, $0xb8;
	[tilespmem:$0x1D780] =	vst v63  }
0x4c: {  	_ =	swait.ge [sflag:s19], $0x2800  }
0x4d: {  	[sflag:s19] =	ssyncset.done $0x0  }
0x4e: {  	[sflag:s19] =	ssyncadd.s32 $0xFFFFD800  }
0x4f: {  	_ =	swait.ge [sflag:s20], $0x2800  }
0x50: {  	[sflag:s20] =	ssyncset.done $0x0  }
0x51: {  	[sflag:s20] =	ssyncadd.s32 $0xFFFFD800  }
0x52: {  	[tilespmem:s3], [sflag:$0x1] =	stream.indirect.gather [hbm4b:s4+s15], $0x80, s21, s15, $0xb8;
	[tilespmem:$0x1D780] =	vst v63  }
0x53: {  	_ =	swait.ge [sflag:s17], $0x2800  }
0x54: {  	[sflag:s17] =	ssyncset.done $0x0  }
0x55: {  	[sflag:s17] =	ssyncadd.s32 $0xFFFFD800  }
0x56: {  	[spmem:s2] =	stream.indirect.scatter.add.f32 [tilespmem:s3], [sflag:$0x3], $0x80, s22, s15, $0xb8;
	[tilespmem:$0x1D780] =	vst v63  }
0x57: {  	_ =	swait.ge [sflag:s19], $0x2800  }
0x58: {  	s23 =	sadd.s32 $0x1, s23;
	[sflag:s19] =	ssyncset.done $0x0  }
0x59: {  	p0 =	sne.s32 s23, s9;
	[sflag:s19] =	ssyncadd.s32 $0xFFFFD800  }
.Ltmp1:
0x5a: {  	[bflag:$0x0] =	sbarrier.arrive $0xFFFF;
	(pc) =	sbr.rel @p0 .LBB2_1-.Ltmp1, $4  }
0x5b: {  	[hbm:s8], [sflag:s13] =	dma.local [spmem:s14], $0x2710  }
0x5c: {  	_ =	swait.ge [sflag:s11], $0x2710  }
0x5d: {  	[sflag:s11] =	ssyncset.done $0x0  }
0x5e: {  	[sflag:s11] =	ssyncadd.s32 $0xFFFFD8F0  }
0x5f: {  	_ =	sfence.sel $0x180000  }
0x60: {  	[bflag:$0x0] =	sbarrier.arrive $0xFFFF  }
0x61: {  	p0 =	sne.s32 s0, $0x0;
	_ =	strace $0x9000004D  }
0x62: {  	s0 =	sadd.s32 @!p0 $0x100000, s1;
	[bflag:$0x2] =	sbarrier.arrive $0xFFFF  }
0x63: {  	[sflag:s0] =	ssyncadd.tile.s32 @!p0 $0x1;
	_ =	shalt  }
.Lfunc_end2:
_tile_overlayer_lowered:
.L_overlay_start_2:
0x64: {  	(tag) =	ssettag $0x2  }
0x65: {  	s0 =	rddreg [dreg:$0x0];
	s2 =	stileid.u32  }
0x66: {  	s1 =	rddreg [dreg:$0x1];
	p0 =	sne.s32 s2, $0x0  }
0x67: {  	s3 =	rddreg [dreg:$0x2];
	[bflag:$0x3] =	sbarrier.arrive $0xFFFF;
	s2 =	simm.s32 @!p0 $0x1C05  }
0x68: {  	[timem:s3], [sflag:s2] =	dma.local @!p0 [hbm:s0], s1  }
0x69: {  	s0 =	simm.s32 @!p0 $0x5  }
0x6a: {  	_ =	swait.ge @!p0 [sflag:s0], s1  }
0x6b: {  	s1 =	ssub.s32 @!p0 $0x0, s1;
	[sflag:s0] =	ssyncset.done @!p0 $0x0  }
0x6c: {  	[sflag:s0] =	ssyncadd.s32 @!p0 s1  }
0x6d: {  	[bflag:$0x3] =	sbarrier.arrive $0xFFFF  }
0x6e: {  	_ =	shalt  }

// kernel: kernel.20.cloned.1.call-start
scs
__scs_entry_jumppad:
0x0: {  	(pc) =	sbr.rel $0x88, $3  }
0x1: {  	(tag) =	ssettag $0x0;
	lr =	simm.s32 $0x1  }
0x2: {  	[smem:$0x3F92] =	sst lr;
	_ =	strace $0xD0000000  }
0x3: {  	_ = 	snop  }
0x4: {  	_ = 	snop  }
0x5: {  	_ = 	snop  }
0x6: {  	_ = 	snop  }
0x7: {  	_ = 	snop  }
__scs_overlays_trampoline_lowered:
0x8: {  	[smem:$0x3FA1] =	sst s0  }
0x9: {  	[smem:$0x3FA2] =	sst s1  }
0xa: {  	[smem:$0x3FA3] =	sst s2  }
0xb: {  	[smem:$0x3FA4] =	sst s3  }
0xc: {  	[smem:$0x3FA5] =	sst s4  }
0xd: {  	[smem:$0x3FA6] =	sst s5  }
0xe: {  	[smem:$0x3FA7] =	sst s6  }
0xf: {  	[smem:$0x3FA8] =	sst s7  }
0x10: {  	[smem:$0x3FA9] =	sst s8  }
0x11: {  	[smem:$0x3FAA] =	sst s9;
	s0 =	simm.s32 @!p0 $0x0  }
0x12: {  	s1 =	sld [smem:$0x3F90];
	s0 =	simm.s32 @p0 $0x1  }
0x13: {  	[smem:$0x3FAB] =	sst s0;
	s0 =	simm.s32 @!p1 $0x0  }
0x14: {  	s2 =	sld [smem:$0x3F8F];
	s0 =	simm.s32 @p1 $0x1  }
0x15: {  	[smem:$0x3FAC] =	sst s0;
	s0 =	simm.s32 @!p2 $0x0  }
0x16: {  	s3 =	sld [smem:$0x3FDB];
	s0 =	simm.s32 @p2 $0x1  }
0x17: {  	s4 =	simm.s32 $0x1BF5;
	[smem:$0x3FAE] =	sst s0  }
0x18: {  	s0 =	sld [smem:$0x3F91];
	_ =	swait.ge [sflag:s4], $0x0  }
0x19: {  	s7 =	sld [smem:$0x3F92]  }
0x1a: {  	s8 =	sadd.s32 $0xFFFFE003, lr  }
0x1b: {  	s9 =	sadd.s32 $0xFFFFFEF7, lr;
	s5 =	simm.s32 $0xFFFFFFFF;
	p2 =	slt.u32 s8, $0xFFFFF086  }
0x1c: {  	p1 =	slt.u32 s9, $0xF7A;
	s5 =	simm.s32 @!p2 $0x0  }
0x1d: {  	s5 =	simm.s32 @p1 $0x1;
	p0 =	seq.s32 s7, s2  }
0x1e: {  	s7 =	smul.u32 @!p0 $0xF7A, s2;
	p2 =	seq.s32 @!p0 s5, $0x0  }
0x1f: {  	s9 =	smul.u32 $0xF7A, s1;
	s8 =	simm.s32 @!p0 $0x1BF5;
	p2 =	por !p2, p0  }
0x20: {  	[sflag:s8] =	ssyncset.s32 @!p0 $0xFFFFF086;
	s6 =	sadd.s32 @!p0 s3, s7;
	s7 =	simm.s32 @!p0 $0x108  }
0x21: {  	s3 =	sadd.s32 s3, s9;
	s6 =	sadd.s32 @!p0 $0x88, s6;
	s7 =	simm.s32 @p2 $0x1082  }
0x22: {  	[simem:s7], [sflag:s8] =	dma.local @!p0 [hbm:s6], $0xF7A  }
0x23: {  	s9 =	sor.u32 $0xD0000000, s2;
	s6 =	simm.s32 $0x108;
	_ =	swait.ge @!p0 [sflag:s8], $0x0  }
0x24: {  	s3 =	sadd.s32 $0x88, s3;
	s6 =	simm.s32 @!p1 $0x1082;
	[sflag:s4] =	ssyncset.s32 $0xFFFFF086  }
0x25: {  	[simem:s6], [sflag:s4] =	dma.local [hbm:s3], $0xF7A  }
0x26: {  	[smem:$0x3F92] =	sst s1;
	(tag) =	ssettag s2;
	_ =	strace s9  }
0x27: {  	s1 =	sld [smem:$0x3FA2]  }
0x28: {  	s2 =	sld [smem:$0x3FA3]  }
0x29: {  	s4 =	sld [smem:$0x3FA5]  }
0x2a: {  	p0 =	seq.s32 s5, $0x0;
	s5 =	sld [smem:$0x3FA6]  }
0x2b: {  	s6 =	sld [smem:$0x3FA7]  }
0x2c: {  	s7 =	sld [smem:$0x3FA8]  }
0x2d: {  	s3 =	simm.s32 $0x108;
	s8 =	sld [smem:$0x3FA9]  }
0x2e: {  	s3 =	simm.s32 @!p0 $0x1082;
	s9 =	sld [smem:$0x3FAA]  }
0x2f: {  	lr =	sadd.s32 s0, s3;
	s0 =	sld [smem:$0x3FA1]  }
0x30: {  	s3 =	sld [smem:$0x3FA4]  }
0x31: {  	[smem:$0x3FAD] =	sst s10  }
0x32: {  	s10 =	sld [smem:$0x3FAB];
	_ =	sdelay $0x3  }
0x33: {  	p0 =	seq.s32 s10, $0x1;
	s10 =	sld [smem:$0x3FAD];
	_ =	sdelay $0x3  }
0x34: {  	[smem:$0x3FAD] =	sst s10  }
0x35: {  	s10 =	sld [smem:$0x3FAC];
	_ =	sdelay $0x3  }
0x36: {  	p1 =	seq.s32 s10, $0x1;
	s10 =	sld [smem:$0x3FAD];
	_ =	sdelay $0x3  }
0x37: {  	[smem:$0x3FAD] =	sst s10  }
0x38: {  	s10 =	sld [smem:$0x3FAE]  }
0x39: {  	_ = 	snop;
	(pc) =	sbr.ind lr, $3  }
0x3a: {  	_ = 	snop  }
0x3b: {  	_ = 	snop  }
0x3c: {  	p2 =	seq.s32 s10, $0x1;
	s10 =	sld [smem:$0x3FAD]  }
0x3d: {  	_ =	shalt  }
0x3e: {  	_ =	shalt  }
0x3f: {  	_ =	shalt  }
0x40: {  	_ =	shalt  }
0x41: {  	_ =	shalt  }
0x42: {  	_ =	shalt  }
0x43: {  	_ =	shalt  }
0x44: {  	_ =	shalt  }
0x45: {  	_ =	shalt  }
0x46: {  	_ =	shalt  }
0x47: {  	_ =	shalt  }
0x48: {  	_ =	shalt  }
0x49: {  	_ =	shalt  }
0x4a: {  	_ =	shalt  }
0x4b: {  	_ =	shalt  }
0x4c: {  	_ =	shalt  }
0x4d: {  	_ =	shalt  }
0x4e: {  	_ =	shalt  }
0x4f: {  	_ =	shalt  }
0x50: {  	_ =	shalt  }
0x51: {  	_ =	shalt  }
0x52: {  	_ =	shalt  }
0x53: {  	_ =	shalt  }
0x54: {  	_ =	shalt  }
0x55: {  	_ =	shalt  }
0x56: {  	_ =	shalt  }
0x57: {  	_ =	shalt  }
0x58: {  	_ =	shalt  }
0x59: {  	_ =	shalt  }
0x5a: {  	_ =	shalt  }
0x5b: {  	_ =	shalt  }
0x5c: {  	_ =	shalt  }
0x5d: {  	_ =	shalt  }
0x5e: {  	_ =	shalt  }
0x5f: {  	_ =	shalt  }
0x60: {  	_ =	shalt  }
0x61: {  	_ =	shalt  }
0x62: {  	_ =	shalt  }
0x63: {  	_ =	shalt  }
0x64: {  	_ =	shalt  }
0x65: {  	_ =	shalt  }
0x66: {  	_ =	shalt  }
0x67: {  	_ =	shalt  }
0x68: {  	_ =	shalt  }
0x69: {  	_ =	shalt  }
0x6a: {  	_ =	shalt  }
0x6b: {  	_ =	shalt  }
0x6c: {  	_ =	shalt  }
0x6d: {  	_ =	shalt  }
0x6e: {  	_ =	shalt  }
0x6f: {  	_ =	shalt  }
0x70: {  	_ =	shalt  }
0x71: {  	_ =	shalt  }
0x72: {  	_ =	shalt  }
0x73: {  	_ =	shalt  }
0x74: {  	_ =	shalt  }
0x75: {  	_ =	shalt  }
0x76: {  	_ =	shalt  }
0x77: {  	_ =	shalt  }
0x78: {  	_ =	shalt  }
0x79: {  	_ =	shalt  }
0x7a: {  	_ =	shalt  }
0x7b: {  	_ =	shalt  }
0x7c: {  	_ =	shalt  }
0x7d: {  	_ =	shalt  }
0x7e: {  	_ =	shalt  }
0x7f: {  	_ =	shalt  }
0x80: {  	_ =	shalt  }
0x81: {  	_ =	shalt  }
0x82: {  	_ =	shalt  }
0x83: {  	_ =	shalt  }
0x84: {  	_ =	shalt  }
0x85: {  	_ =	shalt  }
0x86: {  	_ =	shalt  }
0x87: {  	_ =	shalt  }
.Lfunc_end0:
.L_simem_size_0:
called_computation.3_lowered:
.L_overlay_start_0:
0x88: {  	s2 =	sld [smem:$0x3FD9]  }
0x89: {  	s3 =	sld [smem:$0x3FFE];
	_ =	sdelay $0x1  }
0x8a: {  	s1 =	srdreg.scid  }
0x8b: {  	s0 =	sand.u32 $0x1, s1  }
0x8c: {  	s16 =	sshll.u32 s0, $0xA;
	s2 =	sadd.s32 s3, s2  }
0x8d: {  	s2 =	sadd.s32 s2, s16  }
0x8e: {  	[smem:$0x3FB9] =	sst s2  }
0x8f: {  	_ = 	snop  }
0x90: {  	(tm) =	ssettm $0x1  }
0x91: {  	s17 =	sld [smem:$0x3FFB];
	_ =	sdelay $0x3  }
0x92: {  	_ =	strace s17  }
0x93: {  	s2 =	sld [smem:$0x3FFC];
	_ =	sdelay $0x3  }
0x94: {  	_ =	strace s2  }
0x95: {  	s2 =	sld [smem:$0x3FFD];
	_ =	sdelay $0x3  }
0x96: {  	_ =	strace s2  }
0x97: {  	_ =	strace $0x8FFFFFFF  }
0x98: {  	s18 =	sld [smem:$0x3FDB];
	_ =	sdelay $0x1  }
0x99: {  	s19 =	simm.s32 $_scs_section_size  }
0x9a: {  	s4 =	simm.s32 $_size__tile_overlayer_lowered;
	s5 =	simm.s32 $_tile_overlayer_lowered  }
0x9b: {  	s22 =	simm.s32 $0x1BFF;
	s21 =	sshll.u32 s5, $0x1;
	s2 =	sadd.s32 s19, s18  }
0x9c: {  	s6 =	simm.s32 $0x0;
	s20 =	sshll.u32 s4, $0x1;
	s4 =	sadd.s32 s21, s2  }
0x9d: {  	[timem:s6], [sflag:s22] =	dma.local [hbm:s4], s20  }
0x9e: {  	_ =	swait.ge [sflag:s22], s20  }
0x9f: {  	s3 =	ssub.s32 $0x0, s20;
	[sflag:s22] =	ssyncset.done $0x0  }
0xa0: {  	[sflag:s22] =	ssyncadd.s32 s3;
	_ =	sdelay $0x1  }
0xa1: {  	s23 =	simm.s32 $0x1B8B  }
0xa2: {  	_ =	swait.ge [sflag:s23], $0x1  }
0xa3: {  	[sflag:s23] =	ssyncset.done $0x0  }
0xa4: {  	s25 =	simm.s32 $0x1B8E;
	s24 =	sld [smem:$0x3FFE];
	[sflag:s23] =	ssyncadd.s32 $0xFFFFFFFF  }
0xa5: {  	s26 =	simm.s32 $execute0_lowered;
	[smem:$0x3FD2] =	sst s25  }
0xa6: {  	s4 =	sshll.u32 s26, $0x1;
	_ =	strace $0x8000004F;
	[dreg:$0x1] =	wrdreg $0xFFFFFFFF  }
0xa7: {  	s28 =	simm.s32 $_size_execute0_lowered;
	s2 =	sadd.s32 s2, s4;
	[dreg:$0x0] =	wrdreg $0x0  }
0xa8: {  	s4 =	sshll.u32 s28, $0x1;
	[dreg:$0x2] =	wrdreg s2  }
0xa9: {  	[dreg:$0x3] =	wrdreg s4  }
0xaa: {  	[dreg:$0x4] =	wrdreg $0xC0  }
0xab: {  	_ =	task [dreg:s6], $0x5FFFF  }
0xac: {  	[dreg:$0x1] =	wrdreg $0xFFFFFFFF  }
0xad: {  	[dreg:$0x0] =	wrdreg $0x60  }
0xae: {  	[dreg:$0x2] =	wrdreg s24  }
0xaf: {  	[dreg:$0x3] =	wrdreg $0x9F000  }
0xb0: {  	[dreg:$0x4] =	wrdreg $0x9  }
0xb1: {  	_ =	task.clear_ibuf [dreg:s6], $0x5FFFF;
	_ =	strace $0x9000004F  }
0xb2: {  	s29 =	simm.s32 $0x9;
	_ =	strace $0x80000051  }
0xb3: {  	_ =	swait.ge [sflag:s29], $0x1  }
0xb4: {  	[sflag:s29] =	ssyncadd.s32 $0xFFFFFFFF  }
0xb5: {  	_ =	strace $0x90000051  }
0xb6: {  	_ =	sfence  }
0xb7: {  	s30 =	sld [smem:$0x0];
	_ =	sdelay $0x2  }
0xb8: {  	s31 =	sshll.u32 s1, $0xD;
	s1 =	sshrl.u32 s1, $0x2  }
0xb9: {  	s3 =	sand.u32 $0x4000, s31;
	s1 =	sadd.s32 s1, s30  }
0xba: {  	s0 =	sor.u32 s3, s0;
	s1 =	sshll.u32 s1, $0x11  }
0xbb: {  	s0 =	sor.u32 s1, s0  }
0xbc: {  	s0 =	sadd.s32 $0x8F2B, s0  }
0xbd: {  	[sflag:s0] =	ssyncadd.remote.s32 $0x1  }
0xbe: {  	_ =	sfence.sel $0xFFFF  }
0xbf: {  	[dreg:$0x0] =	wrdreg $0xFFFFFFFF;
	(pc) =	sbr.abs _section_cstart, $3  }
0xc0: {  	[dreg:$0x1] =	wrdreg $0xFFFFFFFF  }
0xc1: {  	_ =	task.clear_ibuf [dreg:s6], $0x2FFFF;
	_ =	strace $0x9FFFFFFF  }
0xc2: {  	(tm) =	ssettm $0x7FFFFFFF  }
0xc3: {  	_ =	shalt  }
tec
execute0_lowered:
.L_overlay_start_1:
0x0: {  	(tag) =	ssettag $0x1  }
0x1: {  	s6 =	rddreg [dreg:$0x0]  }
0x2: {  	s0 =	srdreg.scid;
	s2 =	rddreg [dreg:$0x1]  }
0x3: {  	s3 =	simm.s32 $0x0;
	s12 =	simm.s32 $0x7780;
	s15 =	simm.s32 $0x50  }
0x4: {  	s16 =	simm.s32 $0x2800;
	s17 =	simm.s32 $0x1;
	s18 =	simm.s32 $0x2  }
0x5: {  	s19 =	simm.s32 $0x3;
	s20 =	simm.s32 $0x4;
	s21 =	simm.s32 $0x76C0  }
0x6: {  	s22 =	simm.s32 $0x9E40;
	s5 =	sand.u32 $0x1, s0;
	s0 =	stileid.u32  }
0x7: {  	s23 =	simm.s32 $0x0;
	[smem:$0x7FF] =	sst s3;
	s8 =	smul.u32 $0x13C000, s5  }
0x8: {  	s4 =	sadd.s32 $0x1B000, s6;
	s1 =	sshll.u32 s5, $0x4;
	s9 =	smul.u32 $0x13C00, s0  }
0x9: {  	s30 =	ssub.s32 $0x2, s5;
	s11 =	smul.u32 $0x4E200, s0;
	s5 =	sadd.s32 $0x18800, s6  }
0xa: {  	s13 =	sshll.u32 s0, $0x6;
	s1 =	sor.u32 s0, s1;
	s10 =	sshrl.u32 s30, $0x1  }
0xb: {  	s13 =	sor.u32 $0x1C05, s13;
	s7 =	smul.u32 $0x4E2, s1;
	s1 =	rddreg [dreg:$0x2]  }
0xc: {  	_ =	strace $0x80000050;
	s8 =	sadd.s32 s9, s8;
	s9 =	ssub.s32 s30, s10  }
0xd: {  	s31 =	sshrl.u32 s11, $0x2;
	s10 =	simm.s32 $0x5000;
	s11 =	simm.s32 $0x5  }
0xe: {  	s8 =	sshrl.u32 s8, $0x3;
	s14 =	sadd.s32 s31, s2;
	s9 =	smax.u32 s9, $0x1  }
0xf: {  	s7 =	sadd.s32 s7, s6;
	s8 =	sadd.s32 s8, s6;
	s14 =	sshrl.u32 s14, $0x3  }
0x10: {  	s6 =	sadd.s32 $0x4C00, s7;
	s7 =	sadd.s32 $0xEA00, s7;
	s8 =	sadd.s32 $0x42200, s8  }
.LBB2_1:
0x11: {  	[tilespmem:s10], [sflag:$0x5] =	stream.linear.gather [hbm4b:s6+s3], $0x2710, $0x38;
	[tilespmem:$0x1D780] =	vst v63  }
0x12: {  	_ =	swait.ge [sflag:s11], $0x2710  }
0x13: {  	[sflag:s11] =	ssyncset.done $0x0  }
0x14: {  	[sflag:s11] =	ssyncadd.s32 $0xFFFFD8F0  }
0x15: {  	[tilespmem:s12], [sflag:$0x5] =	stream.linear.gather [hbm4b:s7+s3], $0x2710, $0x38;
	[tilespmem:$0x1D780] =	vst v63  }
0x16: {  	_ =	swait.ge [sflag:s11], $0x2710  }
0x17: {  	[sflag:s11] =	ssyncset.done $0x0  }
0x18: {  	[sflag:s11] =	ssyncadd.s32 $0xFFFFD8F0  }
0x19: {  	[spmem:s14], [sflag:s13] =	dma.local [hbm:s5], $0x2710  }
0x1a: {  	_ =	swait.ge [sflag:s11], $0x2710  }
0x1b: {  	[sflag:s11] =	ssyncset.done $0x0  }
0x1c: {  	[sflag:s11] =	ssyncadd.s32 $0xFFFFD8F0  }
0x1d: {  	s24 =	simm.s32 $0x5000;
	[bflag:$0x0] =	sbarrier.arrive $0xFFFF  }
0x1e: {  	[tilespmem:s3], [sflag:$0x1] =	stream.indirect.gather [hbm4b:s4+s15], $0x80, s24, s15, $0xb8;
	[tilespmem:$0x1D780] =	vst v63  }
0x1f: {  	s29 =	simm.s32 $0x5050  }
0x20: {  	[tilespmem:s16], [sflag:$0x2] =	stream.indirect.gather [hbm4b:s4+s15], $0x80, s29, s15, $0xb8;
	[tilespmem:$0x1D780] =	vst v63  }
0x21: {  	_ =	swait.ge [sflag:s17], $0x2800  }
0x22: {  	[sflag:s17] =	ssyncset.done $0x0  }
0x23: {  	s30 =	simm.s32 $0x7780;
	[sflag:s17] =	ssyncadd.s32 $0xFFFFD800  }
0x24: {  	[spmem:s2] =	stream.indirect.scatter.add.f32 [tilespmem:s3], [sflag:$0x3], $0x80, s30, s15, $0xb8;
	[tilespmem:$0x1D780] =	vst v63  }
0x25: {  	_ =	swait.ge [sflag:s18], $0x2800  }
0x26: {  	[sflag:s18] =	ssyncset.done $0x0  }
0x27: {  	s31 =	simm.s32 $0x77D0;
	[sflag:s18] =	ssyncadd.s32 $0xFFFFD800  }
0x28: {  	[spmem:s2] =	stream.indirect.scatter.add.f32 [tilespmem:s16], [sflag:$0x4], $0x80, s31, s15, $0xb8;
	[tilespmem:$0x1D780] =	vst v63  }
0x29: {  	_ =	swait.ge [sflag:s19], $0x2800  }
0x2a: {  	[sflag:s19] =	ssyncset.done $0x0  }
0x2b: {  	[sflag:s19] =	ssyncadd.s32 $0xFFFFD800  }
0x2c: {  	_ =	swait.ge [sflag:s20], $0x2800  }
0x2d: {  	s25 =	simm.s32 $0x500;
	s24 =	simm.s32 $0xA0;
	[sflag:s20] =	ssyncset.done $0x0  }
.LBB2_2:
0x2e: {  	s26 =	sadd.s32 $0x5000, s24  }
0x2f: {  	[sflag:s20] =	ssyncadd.s32 $0xFFFFD800;
	s28 =	smov.u32 s25;
	s29 =	sadd.s32 $0x280, s25  }
0x30: {  	[tilespmem:s3], [sflag:$0x1] =	stream.indirect.gather [hbm4b:s4+s15], $0x80, s26, s15, $0xb8;
	[tilespmem:$0x1D780] =	vst v63  }
0x31: {  	p0 =	sne.s32 s25, $0x9880;
	s25 =	sadd.s32 $0x5050, s24  }
0x32: {  	[tilespmem:s16], [sflag:$0x2] =	stream.indirect.gather [hbm4b:s4+s15], $0x80, s25, s15, $0xb8;
	[tilespmem:$0x1D780] =	vst v63  }
0x33: {  	_ =	swait.ge [sflag:s17], $0x2800  }
0x34: {  	[sflag:s17] =	ssyncset.done $0x0  }
0x35: {  	s25 =	sadd.s32 $0x7780, s24;
	[sflag:s17] =	ssyncadd.s32 $0xFFFFD800  }
0x36: {  	[spmem:s2] =	stream.indirect.scatter.add.f32 [tilespmem:s3], [sflag:$0x3], $0x80, s25, s15, $0xb8;
	[tilespmem:$0x1D780] =	vst v63  }
0x37: {  	_ =	swait.ge [sflag:s18], $0x2800  }
0x38: {  	[sflag:s18] =	ssyncset.done $0x0  }
0x39: {  	s24 =	sadd.s32 $0x77D0, s24;
	[sflag:s18] =	ssyncadd.s32 $0xFFFFD800  }
0x3a: {  	[spmem:s2] =	stream.indirect.scatter.add.f32 [tilespmem:s16], [sflag:$0x4], $0x80, s24, s15, $0xb8;
	[tilespmem:$0x1D780] =	vst v63  }
.Ltmp0:
0x3b: {  	_ =	swait.ge [sflag:s19], $0x2800;
	(pc) =	sbr.rel @p0 .LBB2_2-.Ltmp0, $4  }
0x3c: {  	[sflag:s19] =	ssyncset.done $0x0  }
0x3d: {  	[sflag:s19] =	ssyncadd.s32 $0xFFFFD800  }
0x3e: {  	_ =	swait.ge [sflag:s20], $0x2800  }
0x3f: {  	s25 =	smov.u32 s29;
	s24 =	sshra.s32 s28, $0x2;
	[sflag:s20] =	ssyncset.done $0x0  }
0x40: {  	s25 =	sadd.s32 $0x5000, s24;
	[sflag:s20] =	ssyncadd.s32 $0xFFFFD800  }
0x41: {  	[tilespmem:s3], [sflag:$0x1] =	stream.indirect.gather [hbm4b:s4+s15], $0x80, s25, s15, $0xb8;
	[tilespmem:$0x1D780] =	vst v63  }
0x42: {  	s29 =	sadd.s32 $0x5050, s24  }
0x43: {  	[tilespmem:s16], [sflag:$0x2] =	stream.indirect.gather [hbm4b:s4+s15], $0x80, s29, s15, $0xb8;
	[tilespmem:$0x1D780] =	vst v63  }
0x44: {  	_ =	swait.ge [sflag:s17], $0x2800  }
0x45: {  	[sflag:s17] =	ssyncset.done $0x0  }
0x46: {  	s30 =	sadd.s32 $0x7780, s24;
	[sflag:s17] =	ssyncadd.s32 $0xFFFFD800  }
0x47: {  	[spmem:s2] =	stream.indirect.scatter.add.f32 [tilespmem:s3], [sflag:$0x3], $0x80, s30, s15, $0xb8;
	[tilespmem:$0x1D780] =	vst v63  }
0x48: {  	_ =	swait.ge [sflag:s18], $0x2800  }
0x49: {  	[sflag:s18] =	ssyncset.done $0x0  }
0x4a: {  	s31 =	sadd.s32 $0x77D0, s24;
	[sflag:s18] =	ssyncadd.s32 $0xFFFFD800  }
0x4b: {  	[spmem:s2] =	stream.indirect.scatter.add.f32 [tilespmem:s16], [sflag:$0x4], $0x80, s31, s15, $0xb8;
	[tilespmem:$0x1D780] =	vst v63  }
0x4c: {  	_ =	swait.ge [sflag:s19], $0x2800  }
0x4d: {  	[sflag:s19] =	ssyncset.done $0x0  }
0x4e: {  	[sflag:s19] =	ssyncadd.s32 $0xFFFFD800  }
0x4f: {  	_ =	swait.ge [sflag:s20], $0x2800  }
0x50: {  	[sflag:s20] =	ssyncset.done $0x0  }
0x51: {  	[sflag:s20] =	ssyncadd.s32 $0xFFFFD800  }
0x52: {  	[tilespmem:s3], [sflag:$0x1] =	stream.indirect.gather [hbm4b:s4+s15], $0x80, s21, s15, $0xb8;
	[tilespmem:$0x1D780] =	vst v63  }
0x53: {  	_ =	swait.ge [sflag:s17], $0x2800  }
0x54: {  	[sflag:s17] =	ssyncset.done $0x0  }
0x55: {  	[sflag:s17] =	ssyncadd.s32 $0xFFFFD800  }
0x56: {  	[spmem:s2] =	stream.indirect.scatter.add.f32 [tilespmem:s3], [sflag:$0x3], $0x80, s22, s15, $0xb8;
	[tilespmem:$0x1D780] =	vst v63  }
0x57: {  	_ =	swait.ge [sflag:s19], $0x2800  }
0x58: {  	s23 =	sadd.s32 $0x1, s23;
	[sflag:s19] =	ssyncset.done $0x0  }
0x59: {  	p0 =	sne.s32 s23, s9;
	[sflag:s19] =	ssyncadd.s32 $0xFFFFD800  }
.Ltmp1:
0x5a: {  	[bflag:$0x0] =	sbarrier.arrive $0xFFFF;
	(pc) =	sbr.rel @p0 .LBB2_1-.Ltmp1, $4  }
0x5b: {  	[hbm:s8], [sflag:s13] =	dma.local [spmem:s14], $0x2710  }
0x5c: {  	_ =	swait.ge [sflag:s11], $0x2710  }
0x5d: {  	[sflag:s11] =	ssyncset.done $0x0  }
0x5e: {  	[sflag:s11] =	ssyncadd.s32 $0xFFFFD8F0  }
0x5f: {  	_ =	sfence.sel $0x180000  }
0x60: {  	[bflag:$0x0] =	sbarrier.arrive $0xFFFF  }
0x61: {  	p0 =	sne.s32 s0, $0x0;
	_ =	strace $0x90000050  }
0x62: {  	s0 =	sadd.s32 @!p0 $0x100000, s1;
	[bflag:$0x2] =	sbarrier.arrive $0xFFFF  }
0x63: {  	[sflag:s0] =	ssyncadd.tile.s32 @!p0 $0x1;
	_ =	shalt  }
.Lfunc_end2:
_tile_overlayer_lowered:
.L_overlay_start_2:
0x64: {  	(tag) =	ssettag $0x2  }
0x65: {  	s0 =	rddreg [dreg:$0x0];
	s2 =	stileid.u32  }
0x66: {  	s1 =	rddreg [dreg:$0x1];
	p0 =	sne.s32 s2, $0x0  }
0x67: {  	s3 =	rddreg [dreg:$0x2];
	[bflag:$0x3] =	sbarrier.arrive $0xFFFF;
	s2 =	simm.s32 @!p0 $0x1C05  }
0x68: {  	[timem:s3], [sflag:s2] =	dma.local @!p0 [hbm:s0], s1  }
0x69: {  	s0 =	simm.s32 @!p0 $0x5  }
0x6a: {  	_ =	swait.ge @!p0 [sflag:s0], s1  }
0x6b: {  	s1 =	ssub.s32 @!p0 $0x0, s1;
	[sflag:s0] =	ssyncset.done @!p0 $0x0  }
0x6c: {  	[sflag:s0] =	ssyncadd.s32 @!p0 s1  }
0x6d: {  	[bflag:$0x3] =	sbarrier.arrive $0xFFFF  }
0x6e: {  	_ =	shalt  }

</sc_bundles>
